<compile_context>
chip_gen: v7x
topology: tpu7x:2x2x1
jax: 0.10.2.dev20260603
libtpu: 0.0.44.dev20260713+nightly
codegen_flags: <defaults>
</compile_context>

<pallas_src>
import functools

import jax
import jax.numpy as jnp
from jax import lax
from jax.experimental import pallas as pl
from jax.experimental.pallas import tpu as pltpu
from jax.experimental.pallas import tpu_sc as plsc

D = 64
C = 256
NW = 32
EPS = 1e-12


def _rsqrt(t):
    i = lax.bitcast_convert_type(t, jnp.int32)
    i = jnp.int32(0x5F3759DF) - lax.shift_right_arithmetic(i, 1)
    y = lax.bitcast_convert_type(i, jnp.float32)
    for _ in range(3):
        y = y * (1.5 - 0.5 * t * y * y)
    return y


@functools.cache
def _build(N, V, PT):
    n_chunks = N // (NW * C)
    n_pairs = n_chunks // 2
    mesh = plsc.VectorSubcoreMesh(core_axis_name="c", subcore_axis_name="s")

    @functools.partial(
        pl.kernel,
        mesh=mesh,
        out_type=jax.ShapeDtypeStruct((N, D), jnp.float32),
        compiler_params=pltpu.CompilerParams(
            needs_layout_passes=False, use_tc_tiling_on_sc=False
        ),
        scratch_types=[
            pltpu.VMEM((C, D), jnp.float32),
            pltpu.VMEM((C, D), jnp.float32),
            pltpu.VMEM((C, D), jnp.float32),
            pltpu.VMEM((C, D), jnp.float32),
            pltpu.VMEM((C, D), jnp.float32),
            pltpu.VMEM((C, D), jnp.float32),
            pltpu.VMEM((C,), jnp.int32),
            pltpu.VMEM((C,), jnp.int32),
            pltpu.VMEM((C,), jnp.int32),
            pltpu.VMEM((C,), jnp.int32),
            pltpu.VMEM((D,), jnp.float32),
            pltpu.VMEM((D,), jnp.float32),
            pltpu.SemaphoreType.DMA,
            pltpu.SemaphoreType.DMA,
            pltpu.SemaphoreType.DMA,
            pltpu.SemaphoreType.DMA,
        ],
    )
    def body(ids_h, ptid_h, word_h, pt_h, gam_h, bet_h, out_h,
             ws0, ws1, ps0, ps1, os0, os1, iw0, iw1, ip0, ip1,
             gam_v, bet_v, gsem0, gsem1, osem0, osem1):
        wid = lax.axis_index("s") * 2 + lax.axis_index("c")
        tok0 = wid * (n_chunks * C)

        pltpu.sync_copy(gam_h, gam_v)
        pltpu.sync_copy(bet_h, bet_v)
        gk = [gam_v[pl.ds(k * 16, 16)] for k in range(4)]
        bk = [bet_v[pl.ds(k * 16, 16)] for k in range(4)]

        def issue_gathers(base, iw, ip, ws, ps, gsem):
            pltpu.sync_copy(ids_h.at[pl.ds(base, C)], iw)
            pltpu.sync_copy(ptid_h.at[pl.ds(base, C)], ip)
            for j in range(C // 128):
                sl = pl.ds(j * 128, 128)
                pltpu.async_copy(word_h.at[iw.at[sl]], ws.at[sl], gsem)
                pltpu.async_copy(pt_h.at[ip.at[sl]], ps.at[sl], gsem)

        def drain_gathers(ws, ps, gsem):
            pltpu.make_async_copy(word_h.at[pl.ds(0, C)], ws, gsem).wait()
            pltpu.make_async_copy(pt_h.at[pl.ds(0, C)], ps, gsem).wait()

        def drain_out(os_, base, osem):
            pltpu.make_async_copy(os_, out_h.at[pl.ds(base, C)], osem).wait()

        def compute(ws, ps, os_):
            def tok2(t2, carry):
                for tt in range(2):
                    t = t2 * 2 + tt
                    xs = []
                    for k in range(4):
                        sl = pl.ds(k * 16, 16)
                        xs.append(ws[t, sl] + ps[t, sl])
                    sv = (xs[0] + xs[1]) + (xs[2] + xs[3])
                    qv = ((xs[0] * xs[0] + xs[1] * xs[1])
                          + (xs[2] * xs[2] + xs[3] * xs[3]))
                    mean = jnp.sum(sv) * (1.0 / D)
                    var = jnp.sum(qv) * (1.0 / D) - mean * mean
                    rstd = _rsqrt(var + EPS)
                    for k in range(4):
                        sl = pl.ds(k * 16, 16)
                        os_[t, sl] = (xs[k] - mean) * rstd * gk[k] + bk[k]
                return carry

            lax.fori_loop(0, C // 2, tok2, 0)

        issue_gathers(tok0, iw0, ip0, ws0, ps0, gsem0)

        def pair_body(p, carry):
            base0 = tok0 + (2 * p) * C
            base1 = base0 + C
            issue_gathers(base1, iw1, ip1, ws1, ps1, gsem1)
            drain_gathers(ws0, ps0, gsem0)

            @pl.when(p > 0)
            def _():
                drain_out(os0, base0, osem0)

            compute(ws0, ps0, os0)
            pltpu.async_copy(os0, out_h.at[pl.ds(base0, C)], osem0)

            @pl.when(p < n_pairs - 1)
            def _():
                issue_gathers(base1 + C, iw0, ip0, ws0, ps0, gsem0)

            drain_gathers(ws1, ps1, gsem1)

            @pl.when(p > 0)
            def _():
                drain_out(os1, base1, osem1)

            compute(ws1, ps1, os1)
            pltpu.async_copy(os1, out_h.at[pl.ds(base1, C)], osem1)
            return carry

        lax.fori_loop(0, n_pairs, pair_body, 0)
        drain_out(os0, tok0, osem0)
        drain_out(os1, tok0, osem1)

    return body


def kernel(input_ids, token_type_ids, position_ids, word_emb, pos_emb,
           type_emb, ln_gamma, ln_beta):
    B, S = input_ids.shape
    N = B * S
    V, _ = word_emb.shape
    P, _ = pos_emb.shape
    T, _ = type_emb.shape
    pt_tab = (pos_emb[:, None, :] + type_emb[None, :, :]).reshape(P * T, D)
    ptid = (position_ids.astype(jnp.int32) * T
            + token_type_ids.astype(jnp.int32)).reshape(N)
    body = _build(N, V, P * T)
    out = body(
        input_ids.reshape(N).astype(jnp.int32),
        ptid,
        word_emb,
        pt_tab,
        ln_gamma,
        ln_beta,
    )
    return out.reshape(B, S, D)

# --- scband reference (transcript-rebuilt; emitter-appended) ---
"""Pipeline reference for scband-custom-bert-embeddings-4277787427485 (READ-ONLY COPY).

The authoritative reference and input builder live on the scoring server;
editing this copy changes nothing except your own understanding.
"""

import jax, jax.numpy as jnp
import numpy as np

V = 1000000   # vocab_size
D = 64        # hidden_size
P = 512       # max_position_embeddings
T = 2         # type_vocab_size
B = 4096      # batch
S = 200       # seq_len
EPS = 1e-12


def setup_inputs(seed: int = 0) -> dict:
    key = jax.random.key(seed)
    ks = jax.random.split(key, 8)
    input_ids = jax.random.randint(ks[0], (B, S), 0, V)
    token_type_ids = jax.random.randint(ks[1], (B, S), 0, T)
    position_ids = jax.random.randint(ks[2], (B, S), 0, P)
    word_emb = jax.random.normal(ks[3], (V, D), dtype=jnp.float32) * 0.02
    word_emb = word_emb.at[0].set(0.0)  # padding_idx=0 row is zero
    pos_emb = jax.random.normal(ks[4], (P, D), dtype=jnp.float32) * 0.02
    type_emb = jax.random.normal(ks[5], (T, D), dtype=jnp.float32) * 0.02
    ln_gamma = jnp.ones((D,), dtype=jnp.float32)
    ln_beta = jnp.zeros((D,), dtype=jnp.float32)
    return {
        "input_ids": input_ids,
        "token_type_ids": token_type_ids,
        "position_ids": position_ids,
        "word_emb": word_emb,
        "pos_emb": pos_emb,
        "type_emb": type_emb,
        "ln_gamma": ln_gamma,
        "ln_beta": ln_beta,
    }


def reference(input_ids, token_type_ids, position_ids, word_emb, pos_emb, type_emb, ln_gamma, ln_beta):
    # word embeddings lookup (gather)
    inputs_embeds = jnp.take(word_emb, input_ids, axis=0)
    # token type embeddings lookup + add
    tt_emb = jnp.take(type_emb, token_type_ids, axis=0)
    embeddings = inputs_embeds + tt_emb
    # position embeddings lookup + add
    p_emb = jnp.take(pos_emb, position_ids, axis=0)
    embeddings = embeddings + p_emb
    # LayerNorm over last dim
    mu = jnp.mean(embeddings, axis=-1, keepdims=True)
    var = jnp.mean(jnp.square(embeddings - mu), axis=-1, keepdims=True)
    normed = (embeddings - mu) / jnp.sqrt(var + EPS)
    out = normed * ln_gamma + ln_beta
    # dropout p=0.0 -> identity
    return out

if __name__ == "__main__":
    import jax
    _d = setup_inputs()
    print(jax.jit(kernel)(*tuple(_d.values())))

</pallas_src>

<mosaic_0001>
#map = affine_map<(d0, d1) -> (0)>
#map1 = affine_map<(d0, d1) -> (0, 0)>
module attributes {stable_mosaic.version = 14 : i64} {
  func.func @body(%arg0: i32, %arg1: i32, %arg2: memref<819200xi32, #tpu.memory_space<hbm>>, %arg3: memref<819200xi32, #tpu.memory_space<hbm>>, %arg4: memref<1000000x64xf32, #tpu.memory_space<hbm>>, %arg5: memref<1024x64xf32, #tpu.memory_space<hbm>>, %arg6: memref<64xf32, #tpu.memory_space<hbm>>, %arg7: memref<64xf32, #tpu.memory_space<hbm>>, %arg8: memref<819200x64xf32, #tpu.memory_space<hbm>>, %arg9: memref<256x64xf32, #tpu.memory_space<vmem>>, %arg10: memref<256x64xf32, #tpu.memory_space<vmem>>, %arg11: memref<256x64xf32, #tpu.memory_space<vmem>>, %arg12: memref<256x64xf32, #tpu.memory_space<vmem>>, %arg13: memref<256x64xf32, #tpu.memory_space<vmem>>, %arg14: memref<256x64xf32, #tpu.memory_space<vmem>>, %arg15: memref<256xi32, #tpu.memory_space<vmem>>, %arg16: memref<256xi32, #tpu.memory_space<vmem>>, %arg17: memref<256xi32, #tpu.memory_space<vmem>>, %arg18: memref<256xi32, #tpu.memory_space<vmem>>, %arg19: memref<64xf32, #tpu.memory_space<vmem>>, %arg20: memref<64xf32, #tpu.memory_space<vmem>>, %arg21: memref<!tpu.dma_semaphore, #tpu.memory_space<semaphore_mem>>, %arg22: memref<!tpu.dma_semaphore, #tpu.memory_space<semaphore_mem>>, %arg23: memref<!tpu.dma_semaphore, #tpu.memory_space<semaphore_mem>>, %arg24: memref<!tpu.dma_semaphore, #tpu.memory_space<semaphore_mem>>) attributes {dimension_semantics = [#tpu.dimension_semantics<core_parallel>, #tpu.dimension_semantics<subcore_parallel>], iteration_bounds = array<i64: 2, 16>, scalar_prefetch = 0 : i64, scratch_operands = 16 : i64, tpu.core_type = #tpu.core_type<sc_vector_subcore>, window_params = [{transform_indices = #map}, {transform_indices = #map}, {transform_indices = #map1}, {transform_indices = #map1}, {transform_indices = #map}, {transform_indices = #map}, {transform_indices = #map1}]} {
    %mul3A = arith.constant 2 : i32
    %mul3A_0 = arith.muli %arg1, %mul3A : i32
    %add3A = arith.addi %mul3A_0, %arg0 : i32
    %mul3A_1 = arith.constant 25600 : i32
    %mul3A_2 = arith.muli %add3A, %mul3A_1 : i32
    "tpu.region"() ({
      %run_scoped3A = tpu.sem_alloc : memref<!tpu.dma_semaphore, #tpu.memory_space<semaphore_mem>>
      tpu.enqueue_dma source(%arg6 : memref<64xf32, #tpu.memory_space<hbm>>) target(%arg19 : memref<64xf32, #tpu.memory_space<vmem>>) target_semaphore(%run_scoped3A : memref<!tpu.dma_semaphore, #tpu.memory_space<semaphore_mem>>)
      tpu.wait_dma2 semaphore(%run_scoped3A : memref<!tpu.dma_semaphore, #tpu.memory_space<semaphore_mem>>) src(%arg6 : memref<64xf32, #tpu.memory_space<hbm>>) dst(%arg19 : memref<64xf32, #tpu.memory_space<vmem>>)
      tpu.yield
    }) : () -> ()
    "tpu.region"() ({
      %run_scoped3A = tpu.sem_alloc : memref<!tpu.dma_semaphore, #tpu.memory_space<semaphore_mem>>
      tpu.enqueue_dma source(%arg7 : memref<64xf32, #tpu.memory_space<hbm>>) target(%arg20 : memref<64xf32, #tpu.memory_space<vmem>>) target_semaphore(%run_scoped3A : memref<!tpu.dma_semaphore, #tpu.memory_space<semaphore_mem>>)
      tpu.wait_dma2 semaphore(%run_scoped3A : memref<!tpu.dma_semaphore, #tpu.memory_space<semaphore_mem>>) src(%arg7 : memref<64xf32, #tpu.memory_space<hbm>>) dst(%arg20 : memref<64xf32, #tpu.memory_space<vmem>>)
      tpu.yield
    }) : () -> ()
    %get3A = arith.constant 0 : index
    %get3A_3 = tpu.vector_load %arg19[%get3A] {strides = array<i32>} : memref<64xf32, #tpu.memory_space<vmem>>, vector<16xf32>,
    %get3A_4 = arith.constant 16 : index
    %get3A_5 = tpu.vector_load %arg19[%get3A_4] {strides = array<i32>} : memref<64xf32, #tpu.memory_space<vmem>>, vector<16xf32>,
    %get3A_6 = arith.constant 32 : index
    %get3A_7 = tpu.vector_load %arg19[%get3A_6] {strides = array<i32>} : memref<64xf32, #tpu.memory_space<vmem>>, vector<16xf32>,
    %get3A_8 = arith.constant 48 : index
    %get3A_9 = tpu.vector_load %arg19[%get3A_8] {strides = array<i32>} : memref<64xf32, #tpu.memory_space<vmem>>, vector<16xf32>,
    %get3A_10 = arith.constant 0 : index
    %get3A_11 = tpu.vector_load %arg20[%get3A_10] {strides = array<i32>} : memref<64xf32, #tpu.memory_space<vmem>>, vector<16xf32>,
    %get3A_12 = arith.constant 16 : index
    %get3A_13 = tpu.vector_load %arg20[%get3A_12] {strides = array<i32>} : memref<64xf32, #tpu.memory_space<vmem>>, vector<16xf32>,
    %get3A_14 = arith.constant 32 : index
    %get3A_15 = tpu.vector_load %arg20[%get3A_14] {strides = array<i32>} : memref<64xf32, #tpu.memory_space<vmem>>, vector<16xf32>,
    %get3A_16 = arith.constant 48 : index
    %get3A_17 = tpu.vector_load %arg20[%get3A_16] {strides = array<i32>} : memref<64xf32, #tpu.memory_space<vmem>>, vector<16xf32>,
    "tpu.region"() ({
      %run_scoped3A = tpu.sem_alloc : memref<!tpu.dma_semaphore, #tpu.memory_space<semaphore_mem>>
      %dma_start3A_61 = tpu.memref_slice %arg2[%mul3A_2] : memref<819200xi32, #tpu.memory_space<hbm>> -> memref<256xi32, #tpu.memory_space<hbm>>
      %dma_start3A_62 = tpu.memref_slice %arg2[%mul3A_2] : memref<819200xi32, #tpu.memory_space<hbm>> -> memref<256xi32, #tpu.memory_space<hbm>>
      tpu.enqueue_dma source(%dma_start3A_62 : memref<256xi32, #tpu.memory_space<hbm>>) target(%arg15 : memref<256xi32, #tpu.memory_space<vmem>>) target_semaphore(%run_scoped3A : memref<!tpu.dma_semaphore, #tpu.memory_space<semaphore_mem>>)
      %dma_wait3A_63 = tpu.memref_slice %arg2[%mul3A_2] : memref<819200xi32, #tpu.memory_space<hbm>> -> memref<256xi32, #tpu.memory_space<hbm>>
      %dma_wait3A_64 = tpu.memref_slice %arg2[%mul3A_2] : memref<819200xi32, #tpu.memory_space<hbm>> -> memref<256xi32, #tpu.memory_space<hbm>>
      tpu.wait_dma2 semaphore(%run_scoped3A : memref<!tpu.dma_semaphore, #tpu.memory_space<semaphore_mem>>) src(%dma_wait3A_64 : memref<256xi32, #tpu.memory_space<hbm>>) dst(%arg15 : memref<256xi32, #tpu.memory_space<vmem>>)
      tpu.yield
    }) : () -> ()
    "tpu.region"() ({
      %run_scoped3A = tpu.sem_alloc : memref<!tpu.dma_semaphore, #tpu.memory_space<semaphore_mem>>
      %dma_start3A_61 = tpu.memref_slice %arg3[%mul3A_2] : memref<819200xi32, #tpu.memory_space<hbm>> -> memref<256xi32, #tpu.memory_space<hbm>>
      %dma_start3A_62 = tpu.memref_slice %arg3[%mul3A_2] : memref<819200xi32, #tpu.memory_space<hbm>> -> memref<256xi32, #tpu.memory_space<hbm>>
      tpu.enqueue_dma source(%dma_start3A_62 : memref<256xi32, #tpu.memory_space<hbm>>) target(%arg17 : memref<256xi32, #tpu.memory_space<vmem>>) target_semaphore(%run_scoped3A : memref<!tpu.dma_semaphore, #tpu.memory_space<semaphore_mem>>)
      %dma_wait3A_63 = tpu.memref_slice %arg3[%mul3A_2] : memref<819200xi32, #tpu.memory_space<hbm>> -> memref<256xi32, #tpu.memory_space<hbm>>
      %dma_wait3A_64 = tpu.memref_slice %arg3[%mul3A_2] : memref<819200xi32, #tpu.memory_space<hbm>> -> memref<256xi32, #tpu.memory_space<hbm>>
      tpu.wait_dma2 semaphore(%run_scoped3A : memref<!tpu.dma_semaphore, #tpu.memory_space<semaphore_mem>>) src(%dma_wait3A_64 : memref<256xi32, #tpu.memory_space<hbm>>) dst(%arg17 : memref<256xi32, #tpu.memory_space<vmem>>)
      tpu.yield
    }) : () -> ()
    %dma_start3A = arith.constant 0 : i32
    %dma_start3A_18 = arith.constant 0 : i32
    %dma_start3A_19 = tpu.memref_slice %arg9[%dma_start3A, %dma_start3A_18] : memref<256x64xf32, #tpu.memory_space<vmem>> -> memref<128x64xf32, #tpu.memory_space<vmem>>
    %dma_start3A_20 = arith.constant 0 : i32
    %dma_start3A_21 = tpu.memref_slice %arg15[%dma_start3A_20] : memref<256xi32, #tpu.memory_space<vmem>> -> memref<128xi32, #tpu.memory_space<vmem>>
    %dma_start3A_22 = arith.constant 0 : i32
    %dma_start3A_23 = arith.constant 0 : i32
    %dma_start3A_24 = tpu.memref_slice %arg4[%dma_start3A_22, %dma_start3A_23] : memref<1000000x64xf32, #tpu.memory_space<hbm>> -> memref<1000000x64xf32, #tpu.memory_space<hbm>>
    tpu.enqueue_indirect_dma source(%dma_start3A_24 : memref<1000000x64xf32, #tpu.memory_space<hbm>>) target(%dma_start3A_19 : memref<128x64xf32, #tpu.memory_space<vmem>>) offsets(%dma_start3A_21 : memref<128xi32, #tpu.memory_space<vmem>>) semaphore(%arg21 : memref<!tpu.dma_semaphore, #tpu.memory_space<semaphore_mem>>)
    %dma_start3A_25 = arith.constant 0 : i32
    %dma_start3A_26 = arith.constant 0 : i32
    %dma_start3A_27 = tpu.memref_slice %arg11[%dma_start3A_25, %dma_start3A_26] : memref<256x64xf32, #tpu.memory_space<vmem>> -> memref<128x64xf32, #tpu.memory_space<vmem>>
    %dma_start3A_28 = arith.constant 0 : i32
    %dma_start3A_29 = tpu.memref_slice %arg17[%dma_start3A_28] : memref<256xi32, #tpu.memory_space<vmem>> -> memref<128xi32, #tpu.memory_space<vmem>>
    %dma_start3A_30 = arith.constant 0 : i32
    %dma_start3A_31 = arith.constant 0 : i32
    %dma_start3A_32 = tpu.memref_slice %arg5[%dma_start3A_30, %dma_start3A_31] : memref<1024x64xf32, #tpu.memory_space<hbm>> -> memref<1024x64xf32, #tpu.memory_space<hbm>>
    tpu.enqueue_indirect_dma source(%dma_start3A_32 : memref<1024x64xf32, #tpu.memory_space<hbm>>) target(%dma_start3A_27 : memref<128x64xf32, #tpu.memory_space<vmem>>) offsets(%dma_start3A_29 : memref<128xi32, #tpu.memory_space<vmem>>) semaphore(%arg21 : memref<!tpu.dma_semaphore, #tpu.memory_space<semaphore_mem>>)
    %dma_start3A_33 = arith.constant 128 : i32
    %dma_start3A_34 = arith.constant 0 : i32
    %dma_start3A_35 = tpu.memref_slice %arg9[%dma_start3A_33, %dma_start3A_34] : memref<256x64xf32, #tpu.memory_space<vmem>> -> memref<128x64xf32, #tpu.memory_space<vmem>>
    %dma_start3A_36 = arith.constant 128 : i32
    %dma_start3A_37 = tpu.memref_slice %arg15[%dma_start3A_36] : memref<256xi32, #tpu.memory_space<vmem>> -> memref<128xi32, #tpu.memory_space<vmem>>
    %dma_start3A_38 = arith.constant 0 : i32
    %dma_start3A_39 = arith.constant 0 : i32
    %dma_start3A_40 = tpu.memref_slice %arg4[%dma_start3A_38, %dma_start3A_39] : memref<1000000x64xf32, #tpu.memory_space<hbm>> -> memref<1000000x64xf32, #tpu.memory_space<hbm>>
    tpu.enqueue_indirect_dma source(%dma_start3A_40 : memref<1000000x64xf32, #tpu.memory_space<hbm>>) target(%dma_start3A_35 : memref<128x64xf32, #tpu.memory_space<vmem>>) offsets(%dma_start3A_37 : memref<128xi32, #tpu.memory_space<vmem>>) semaphore(%arg21 : memref<!tpu.dma_semaphore, #tpu.memory_space<semaphore_mem>>)
    %dma_start3A_41 = arith.constant 128 : i32
    %dma_start3A_42 = arith.constant 0 : i32
    %dma_start3A_43 = tpu.memref_slice %arg11[%dma_start3A_41, %dma_start3A_42] : memref<256x64xf32, #tpu.memory_space<vmem>> -> memref<128x64xf32, #tpu.memory_space<vmem>>
    %dma_start3A_44 = arith.constant 128 : i32
    %dma_start3A_45 = tpu.memref_slice %arg17[%dma_start3A_44] : memref<256xi32, #tpu.memory_space<vmem>> -> memref<128xi32, #tpu.memory_space<vmem>>
    %dma_start3A_46 = arith.constant 0 : i32
    %dma_start3A_47 = arith.constant 0 : i32
    %dma_start3A_48 = tpu.memref_slice %arg5[%dma_start3A_46, %dma_start3A_47] : memref<1024x64xf32, #tpu.memory_space<hbm>> -> memref<1024x64xf32, #tpu.memory_space<hbm>>
    tpu.enqueue_indirect_dma source(%dma_start3A_48 : memref<1024x64xf32, #tpu.memory_space<hbm>>) target(%dma_start3A_43 : memref<128x64xf32, #tpu.memory_space<vmem>>) offsets(%dma_start3A_45 : memref<128xi32, #tpu.memory_space<vmem>>) semaphore(%arg21 : memref<!tpu.dma_semaphore, #tpu.memory_space<semaphore_mem>>)
    %scan3A = arith.constant 0 : i32
    %scan3A_49 = arith.constant 0 : i32
    %scan3A_50 = arith.constant 50 : i32
    %scan3A_51 = arith.addi %scan3A_49, %scan3A_50 : i32
    %scan3A_52 = arith.constant 1 : i32
    scf.for %scan3A_61 = %scan3A_49 to %scan3A_51 step %scan3A_52  : i32 {
      %mul3A_62 = arith.constant 2 : i32
      %mul3A_63 = arith.muli %mul3A_62, %scan3A_61 : i32
      %mul3A_64 = arith.constant 256 : i32
      %mul3A_65 = arith.muli %mul3A_63, %mul3A_64 : i32
      %add3A_66 = arith.addi %mul3A_2, %mul3A_65 : i32
      %add3A_67 = arith.constant 256 : i32
      %add3A_68 = arith.addi %add3A_66, %add3A_67 : i32
      "tpu.region"() ({
        %run_scoped3A = tpu.sem_alloc : memref<!tpu.dma_semaphore, #tpu.memory_space<semaphore_mem>>
        %dma_start3A_156 = tpu.memref_slice %arg2[%add3A_68] : memref<819200xi32, #tpu.memory_space<hbm>> -> memref<256xi32, #tpu.memory_space<hbm>>
        %dma_start3A_157 = tpu.memref_slice %arg2[%add3A_68] : memref<819200xi32, #tpu.memory_space<hbm>> -> memref<256xi32, #tpu.memory_space<hbm>>
        tpu.enqueue_dma source(%dma_start3A_157 : memref<256xi32, #tpu.memory_space<hbm>>) target(%arg16 : memref<256xi32, #tpu.memory_space<vmem>>) target_semaphore(%run_scoped3A : memref<!tpu.dma_semaphore, #tpu.memory_space<semaphore_mem>>)
        %dma_wait3A_158 = tpu.memref_slice %arg2[%add3A_68] : memref<819200xi32, #tpu.memory_space<hbm>> -> memref<256xi32, #tpu.memory_space<hbm>>
        %dma_wait3A_159 = tpu.memref_slice %arg2[%add3A_68] : memref<819200xi32, #tpu.memory_space<hbm>> -> memref<256xi32, #tpu.memory_space<hbm>>
        tpu.wait_dma2 semaphore(%run_scoped3A : memref<!tpu.dma_semaphore, #tpu.memory_space<semaphore_mem>>) src(%dma_wait3A_159 : memref<256xi32, #tpu.memory_space<hbm>>) dst(%arg16 : memref<256xi32, #tpu.memory_space<vmem>>)
        tpu.yield
      }) : () -> ()
      "tpu.region"() ({
        %run_scoped3A = tpu.sem_alloc : memref<!tpu.dma_semaphore, #tpu.memory_space<semaphore_mem>>
        %dma_start3A_156 = tpu.memref_slice %arg3[%add3A_68] : memref<819200xi32, #tpu.memory_space<hbm>> -> memref<256xi32, #tpu.memory_space<hbm>>
        %dma_start3A_157 = tpu.memref_slice %arg3[%add3A_68] : memref<819200xi32, #tpu.memory_space<hbm>> -> memref<256xi32, #tpu.memory_space<hbm>>
        tpu.enqueue_dma source(%dma_start3A_157 : memref<256xi32, #tpu.memory_space<hbm>>) target(%arg18 : memref<256xi32, #tpu.memory_space<vmem>>) target_semaphore(%run_scoped3A : memref<!tpu.dma_semaphore, #tpu.memory_space<semaphore_mem>>)
        %dma_wait3A_158 = tpu.memref_slice %arg3[%add3A_68] : memref<819200xi32, #tpu.memory_space<hbm>> -> memref<256xi32, #tpu.memory_space<hbm>>
        %dma_wait3A_159 = tpu.memref_slice %arg3[%add3A_68] : memref<819200xi32, #tpu.memory_space<hbm>> -> memref<256xi32, #tpu.memory_space<hbm>>
        tpu.wait_dma2 semaphore(%run_scoped3A : memref<!tpu.dma_semaphore, #tpu.memory_space<semaphore_mem>>) src(%dma_wait3A_159 : memref<256xi32, #tpu.memory_space<hbm>>) dst(%arg18 : memref<256xi32, #tpu.memory_space<vmem>>)
        tpu.yield
      }) : () -> ()
      %dma_start3A_69 = arith.constant 0 : i32
      %dma_start3A_70 = arith.constant 0 : i32
      %dma_start3A_71 = tpu.memref_slice %arg10[%dma_start3A_69, %dma_start3A_70] : memref<256x64xf32, #tpu.memory_space<vmem>> -> memref<128x64xf32, #tpu.memory_space<vmem>>
      %dma_start3A_72 = arith.constant 0 : i32
      %dma_start3A_73 = tpu.memref_slice %arg16[%dma_start3A_72] : memref<256xi32, #tpu.memory_space<vmem>> -> memref<128xi32, #tpu.memory_space<vmem>>
      %dma_start3A_74 = arith.constant 0 : i32
      %dma_start3A_75 = arith.constant 0 : i32
      %dma_start3A_76 = tpu.memref_slice %arg4[%dma_start3A_74, %dma_start3A_75] : memref<1000000x64xf32, #tpu.memory_space<hbm>> -> memref<1000000x64xf32, #tpu.memory_space<hbm>>
      tpu.enqueue_indirect_dma source(%dma_start3A_76 : memref<1000000x64xf32, #tpu.memory_space<hbm>>) target(%dma_start3A_71 : memref<128x64xf32, #tpu.memory_space<vmem>>) offsets(%dma_start3A_73 : memref<128xi32, #tpu.memory_space<vmem>>) semaphore(%arg22 : memref<!tpu.dma_semaphore, #tpu.memory_space<semaphore_mem>>)
      %dma_start3A_77 = arith.constant 0 : i32
      %dma_start3A_78 = arith.constant 0 : i32
      %dma_start3A_79 = tpu.memref_slice %arg12[%dma_start3A_77, %dma_start3A_78] : memref<256x64xf32, #tpu.memory_space<vmem>> -> memref<128x64xf32, #tpu.memory_space<vmem>>
      %dma_start3A_80 = arith.constant 0 : i32
      %dma_start3A_81 = tpu.memref_slice %arg18[%dma_start3A_80] : memref<256xi32, #tpu.memory_space<vmem>> -> memref<128xi32, #tpu.memory_space<vmem>>
      %dma_start3A_82 = arith.constant 0 : i32
      %dma_start3A_83 = arith.constant 0 : i32
      %dma_start3A_84 = tpu.memref_slice %arg5[%dma_start3A_82, %dma_start3A_83] : memref<1024x64xf32, #tpu.memory_space<hbm>> -> memref<1024x64xf32, #tpu.memory_space<hbm>>
      tpu.enqueue_indirect_dma source(%dma_start3A_84 : memref<1024x64xf32, #tpu.memory_space<hbm>>) target(%dma_start3A_79 : memref<128x64xf32, #tpu.memory_space<vmem>>) offsets(%dma_start3A_81 : memref<128xi32, #tpu.memory_space<vmem>>) semaphore(%arg22 : memref<!tpu.dma_semaphore, #tpu.memory_space<semaphore_mem>>)
      %dma_start3A_85 = arith.constant 128 : i32
      %dma_start3A_86 = arith.constant 0 : i32
      %dma_start3A_87 = tpu.memref_slice %arg10[%dma_start3A_85, %dma_start3A_86] : memref<256x64xf32, #tpu.memory_space<vmem>> -> memref<128x64xf32, #tpu.memory_space<vmem>>
      %dma_start3A_88 = arith.constant 128 : i32
      %dma_start3A_89 = tpu.memref_slice %arg16[%dma_start3A_88] : memref<256xi32, #tpu.memory_space<vmem>> -> memref<128xi32, #tpu.memory_space<vmem>>
      %dma_start3A_90 = arith.constant 0 : i32
      %dma_start3A_91 = arith.constant 0 : i32
      %dma_start3A_92 = tpu.memref_slice %arg4[%dma_start3A_90, %dma_start3A_91] : memref<1000000x64xf32, #tpu.memory_space<hbm>> -> memref<1000000x64xf32, #tpu.memory_space<hbm>>
      tpu.enqueue_indirect_dma source(%dma_start3A_92 : memref<1000000x64xf32, #tpu.memory_space<hbm>>) target(%dma_start3A_87 : memref<128x64xf32, #tpu.memory_space<vmem>>) offsets(%dma_start3A_89 : memref<128xi32, #tpu.memory_space<vmem>>) semaphore(%arg22 : memref<!tpu.dma_semaphore, #tpu.memory_space<semaphore_mem>>)
      %dma_start3A_93 = arith.constant 128 : i32
      %dma_start3A_94 = arith.constant 0 : i32
      %dma_start3A_95 = tpu.memref_slice %arg12[%dma_start3A_93, %dma_start3A_94] : memref<256x64xf32, #tpu.memory_space<vmem>> -> memref<128x64xf32, #tpu.memory_space<vmem>>
      %dma_start3A_96 = arith.constant 128 : i32
      %dma_start3A_97 = tpu.memref_slice %arg18[%dma_start3A_96] : memref<256xi32, #tpu.memory_space<vmem>> -> memref<128xi32, #tpu.memory_space<vmem>>
      %dma_start3A_98 = arith.constant 0 : i32
      %dma_start3A_99 = arith.constant 0 : i32
      %dma_start3A_100 = tpu.memref_slice %arg5[%dma_start3A_98, %dma_start3A_99] : memref<1024x64xf32, #tpu.memory_space<hbm>> -> memref<1024x64xf32, #tpu.memory_space<hbm>>
      tpu.enqueue_indirect_dma source(%dma_start3A_100 : memref<1024x64xf32, #tpu.memory_space<hbm>>) target(%dma_start3A_95 : memref<128x64xf32, #tpu.memory_space<vmem>>) offsets(%dma_start3A_97 : memref<128xi32, #tpu.memory_space<vmem>>) semaphore(%arg22 : memref<!tpu.dma_semaphore, #tpu.memory_space<semaphore_mem>>)
      %dma_wait3A_101 = arith.constant 0 : i32
      %dma_wait3A_102 = arith.constant 0 : i32
      %dma_wait3A_103 = tpu.memref_slice %arg4[%dma_wait3A_101, %dma_wait3A_102] : memref<1000000x64xf32, #tpu.memory_space<hbm>> -> memref<256x64xf32, #tpu.memory_space<hbm>>
      %dma_wait3A_104 = arith.constant 0 : i32
      %dma_wait3A_105 = arith.constant 0 : i32
      %dma_wait3A_106 = tpu.memref_slice %arg4[%dma_wait3A_104, %dma_wait3A_105] : memref<1000000x64xf32, #tpu.memory_space<hbm>> -> memref<256x64xf32, #tpu.memory_space<hbm>>
      tpu.wait_dma2 semaphore(%arg21 : memref<!tpu.dma_semaphore, #tpu.memory_space<semaphore_mem>>) src(%dma_wait3A_106 : memref<256x64xf32, #tpu.memory_space<hbm>>) dst(%arg9 : memref<256x64xf32, #tpu.memory_space<vmem>>)
      %dma_wait3A_107 = arith.constant 0 : i32
      %dma_wait3A_108 = arith.constant 0 : i32
      %dma_wait3A_109 = tpu.memref_slice %arg5[%dma_wait3A_107, %dma_wait3A_108] : memref<1024x64xf32, #tpu.memory_space<hbm>> -> memref<256x64xf32, #tpu.memory_space<hbm>>
      %dma_wait3A_110 = arith.constant 0 : i32
      %dma_wait3A_111 = arith.constant 0 : i32
      %dma_wait3A_112 = tpu.memref_slice %arg5[%dma_wait3A_110, %dma_wait3A_111] : memref<1024x64xf32, #tpu.memory_space<hbm>> -> memref<256x64xf32, #tpu.memory_space<hbm>>
      tpu.wait_dma2 semaphore(%arg21 : memref<!tpu.dma_semaphore, #tpu.memory_space<semaphore_mem>>) src(%dma_wait3A_112 : memref<256x64xf32, #tpu.memory_space<hbm>>) dst(%arg11 : memref<256x64xf32, #tpu.memory_space<vmem>>)
      %gt3A = arith.constant 0 : i32
      %gt3A_113 = arith.cmpi sgt, %scan3A_61, %gt3A : i32
      %convert_element_type3A = arith.extui %gt3A_113 : i1 to i32
      %cond3A = arith.constant 0 : i32
      %cond3A_114 = arith.cmpi ne, %convert_element_type3A, %cond3A : i32
      scf.if %cond3A_114 {
        %dma_wait3A_156 = arith.constant 0 : i32
        %dma_wait3A_157 = tpu.memref_slice %arg8[%add3A_66, %dma_wait3A_156] : memref<819200x64xf32, #tpu.memory_space<hbm>> -> memref<256x64xf32, #tpu.memory_space<hbm>>
        %dma_wait3A_158 = arith.constant 0 : i32
        %dma_wait3A_159 = tpu.memref_slice %arg8[%add3A_66, %dma_wait3A_158] : memref<819200x64xf32, #tpu.memory_space<hbm>> -> memref<256x64xf32, #tpu.memory_space<hbm>>
        tpu.wait_dma2 semaphore(%arg23 : memref<!tpu.dma_semaphore, #tpu.memory_space<semaphore_mem>>) src(%arg13 : memref<256x64xf32, #tpu.memory_space<vmem>>) dst(%dma_wait3A_159 : memref<256x64xf32, #tpu.memory_space<hbm>>)
      } else {
      }
      %scan3A_115 = arith.constant 0 : i32
      %scan3A_116 = arith.constant 0 : i32
      %scan3A_117 = arith.constant 128 : i32
      %scan3A_118 = arith.addi %scan3A_116, %scan3A_117 : i32
      %scan3A_119 = arith.constant 1 : i32
      scf.for %scan3A_156 = %scan3A_116 to %scan3A_118 step %scan3A_119  : i32 {
        %mul3A_157 = arith.constant 2 : i32
        %mul3A_158 = arith.muli %scan3A_156, %mul3A_157 : i32
        %add3A_159 = arith.constant 0 : i32
        %add3A_160 = arith.addi %mul3A_158, %add3A_159 : i32
        %get3A_161 = arith.index_cast %add3A_160 : i32 to index
        %get3A_162 = arith.constant 0 : index
        %get3A_163 = tpu.vector_load %arg9[%get3A_161, %get3A_162] {strides = array<i32>} : memref<256x64xf32, #tpu.memory_space<vmem>>, vector<16xf32>,
        %get3A_164 = arith.index_cast %add3A_160 : i32 to index
        %get3A_165 = arith.constant 0 : index
        %get3A_166 = tpu.vector_load %arg11[%get3A_164, %get3A_165] {strides = array<i32>} : memref<256x64xf32, #tpu.memory_space<vmem>>, vector<16xf32>,
        %add3A_167 = arith.addf %get3A_163, %get3A_166 : vector<16xf32>
        %get3A_168 = arith.index_cast %add3A_160 : i32 to index
        %get3A_169 = arith.constant 16 : index
        %get3A_170 = tpu.vector_load %arg9[%get3A_168, %get3A_169] {strides = array<i32>} : memref<256x64xf32, #tpu.memory_space<vmem>>, vector<16xf32>,
        %get3A_171 = arith.index_cast %add3A_160 : i32 to index
        %get3A_172 = arith.constant 16 : index
        %get3A_173 = tpu.vector_load %arg11[%get3A_171, %get3A_172] {strides = array<i32>} : memref<256x64xf32, #tpu.memory_space<vmem>>, vector<16xf32>,
        %add3A_174 = arith.addf %get3A_170, %get3A_173 : vector<16xf32>
        %get3A_175 = arith.index_cast %add3A_160 : i32 to index
        %get3A_176 = arith.constant 32 : index
        %get3A_177 = tpu.vector_load %arg9[%get3A_175, %get3A_176] {strides = array<i32>} : memref<256x64xf32, #tpu.memory_space<vmem>>, vector<16xf32>,
        %get3A_178 = arith.index_cast %add3A_160 : i32 to index
        %get3A_179 = arith.constant 32 : index
        %get3A_180 = tpu.vector_load %arg11[%get3A_178, %get3A_179] {strides = array<i32>} : memref<256x64xf32, #tpu.memory_space<vmem>>, vector<16xf32>,
        %add3A_181 = arith.addf %get3A_177, %get3A_180 : vector<16xf32>
        %get3A_182 = arith.index_cast %add3A_160 : i32 to index
        %get3A_183 = arith.constant 48 : index
        %get3A_184 = tpu.vector_load %arg9[%get3A_182, %get3A_183] {strides = array<i32>} : memref<256x64xf32, #tpu.memory_space<vmem>>, vector<16xf32>,
        %get3A_185 = arith.index_cast %add3A_160 : i32 to index
        %get3A_186 = arith.constant 48 : index
        %get3A_187 = tpu.vector_load %arg11[%get3A_185, %get3A_186] {strides = array<i32>} : memref<256x64xf32, #tpu.memory_space<vmem>>, vector<16xf32>,
        %add3A_188 = arith.addf %get3A_184, %get3A_187 : vector<16xf32>
        %add3A_189 = arith.addf %add3A_167, %add3A_174 : vector<16xf32>
        %add3A_190 = arith.addf %add3A_181, %add3A_188 : vector<16xf32>
        %add3A_191 = arith.addf %add3A_189, %add3A_190 : vector<16xf32>
        %mul3A_192 = arith.mulf %add3A_167, %add3A_167 : vector<16xf32>
        %mul3A_193 = arith.mulf %add3A_174, %add3A_174 : vector<16xf32>
        %add3A_194 = arith.addf %mul3A_192, %mul3A_193 : vector<16xf32>
        %mul3A_195 = arith.mulf %add3A_181, %add3A_181 : vector<16xf32>
        %mul3A_196 = arith.mulf %add3A_188, %add3A_188 : vector<16xf32>
        %add3A_197 = arith.addf %mul3A_195, %mul3A_196 : vector<16xf32>
        %add3A_198 = arith.addf %add3A_194, %add3A_197 : vector<16xf32>
        %reduce_sum3A = arith.constant true
        %reduce_sum3A_199 = vector.broadcast %reduce_sum3A : i1 to vector<16xi1>
        %reduce_sum3A_200 = tpu.scan <sum>, %add3A_191 masked %reduce_sum3A_199 : vector<16xf32>, vector<16xi1> -> vector<16xf32>
        %reduce_sum3A_201 = vector.extract %reduce_sum3A_200[15] : f32 from vector<16xf32>
        %mul3A_202 = arith.constant 1.562500e-02 : f32
        %mul3A_203 = arith.mulf %reduce_sum3A_201, %mul3A_202 : f32
        %reduce_sum3A_204 = arith.constant true
        %reduce_sum3A_205 = vector.broadcast %reduce_sum3A_204 : i1 to vector<16xi1>
        %reduce_sum3A_206 = tpu.scan <sum>, %add3A_198 masked %reduce_sum3A_205 : vector<16xf32>, vector<16xi1> -> vector<16xf32>
        %reduce_sum3A_207 = vector.extract %reduce_sum3A_206[15] : f32 from vector<16xf32>
        %mul3A_208 = arith.constant 1.562500e-02 : f32
        %mul3A_209 = arith.mulf %reduce_sum3A_207, %mul3A_208 : f32
        %mul3A_210 = arith.mulf %mul3A_203, %mul3A_203 : f32
        %sub3A = arith.subf %mul3A_209, %mul3A_210 : f32
        %add3A_211 = arith.constant 9.99999996E-13 : f32
        %add3A_212 = arith.addf %sub3A, %add3A_211 : f32
        %bitcast_convert_type3A = arith.bitcast %add3A_212 : f32 to i32
        %shift_right_arithmetic3A = arith.constant 1 : i32
        %shift_right_arithmetic3A_213 = arith.shrsi %bitcast_convert_type3A, %shift_right_arithmetic3A : i32
        %sub3A_214 = arith.constant 1597463007 : i32
        %sub3A_215 = arith.subi %sub3A_214, %shift_right_arithmetic3A_213 : i32
        %bitcast_convert_type3A_216 = arith.bitcast %sub3A_215 : i32 to f32
        %mul3A_217 = arith.constant 5.000000e-01 : f32
        %mul3A_218 = arith.mulf %mul3A_217, %add3A_212 : f32
        %mul3A_219 = arith.mulf %mul3A_218, %bitcast_convert_type3A_216 : f32
        %mul3A_220 = arith.mulf %mul3A_219, %bitcast_convert_type3A_216 : f32
        %sub3A_221 = arith.constant 1.500000e+00 : f32
        %sub3A_222 = arith.subf %sub3A_221, %mul3A_220 : f32
        %mul3A_223 = arith.mulf %bitcast_convert_type3A_216, %sub3A_222 : f32
        %mul3A_224 = arith.constant 5.000000e-01 : f32
        %mul3A_225 = arith.mulf %mul3A_224, %add3A_212 : f32
        %mul3A_226 = arith.mulf %mul3A_225, %mul3A_223 : f32
        %mul3A_227 = arith.mulf %mul3A_226, %mul3A_223 : f32
        %sub3A_228 = arith.constant 1.500000e+00 : f32
        %sub3A_229 = arith.subf %sub3A_228, %mul3A_227 : f32
        %mul3A_230 = arith.mulf %mul3A_223, %sub3A_229 : f32
        %mul3A_231 = arith.constant 5.000000e-01 : f32
        %mul3A_232 = arith.mulf %mul3A_231, %add3A_212 : f32
        %mul3A_233 = arith.mulf %mul3A_232, %mul3A_230 : f32
        %mul3A_234 = arith.mulf %mul3A_233, %mul3A_230 : f32
        %sub3A_235 = arith.constant 1.500000e+00 : f32
        %sub3A_236 = arith.subf %sub3A_235, %mul3A_234 : f32
        %mul3A_237 = arith.mulf %mul3A_230, %sub3A_236 : f32
        %sub3A_238 = vector.broadcast %mul3A_203 : f32 to vector<16xf32>
        %sub3A_239 = arith.subf %add3A_167, %sub3A_238 : vector<16xf32>
        %mul3A_240 = vector.broadcast %mul3A_237 : f32 to vector<16xf32>
        %mul3A_241 = arith.mulf %sub3A_239, %mul3A_240 : vector<16xf32>
        %mul3A_242 = arith.mulf %mul3A_241, %get3A_3 : vector<16xf32>
        %add3A_243 = arith.addf %mul3A_242, %get3A_11 : vector<16xf32>
        %swap3A = arith.index_cast %add3A_160 : i32 to index
        %swap3A_244 = arith.constant 0 : index
        %swap3A_245 = tpu.vector_load %arg13[%swap3A, %swap3A_244] {strides = array<i32>} : memref<256x64xf32, #tpu.memory_space<vmem>>, vector<16xf32>,
        tpu.vector_store %arg13[%swap3A, %swap3A_244], %add3A_243 {strides = array<i32>} : memref<256x64xf32, #tpu.memory_space<vmem>>, vector<16xf32>,
        %sub3A_246 = vector.broadcast %mul3A_203 : f32 to vector<16xf32>
        %sub3A_247 = arith.subf %add3A_174, %sub3A_246 : vector<16xf32>
        %mul3A_248 = vector.broadcast %mul3A_237 : f32 to vector<16xf32>
        %mul3A_249 = arith.mulf %sub3A_247, %mul3A_248 : vector<16xf32>
        %mul3A_250 = arith.mulf %mul3A_249, %get3A_5 : vector<16xf32>
        %add3A_251 = arith.addf %mul3A_250, %get3A_13 : vector<16xf32>
        %swap3A_252 = arith.index_cast %add3A_160 : i32 to index
        %swap3A_253 = arith.constant 16 : index
        %swap3A_254 = tpu.vector_load %arg13[%swap3A_252, %swap3A_253] {strides = array<i32>} : memref<256x64xf32, #tpu.memory_space<vmem>>, vector<16xf32>,
        tpu.vector_store %arg13[%swap3A_252, %swap3A_253], %add3A_251 {strides = array<i32>} : memref<256x64xf32, #tpu.memory_space<vmem>>, vector<16xf32>,
        %sub3A_255 = vector.broadcast %mul3A_203 : f32 to vector<16xf32>
        %sub3A_256 = arith.subf %add3A_181, %sub3A_255 : vector<16xf32>
        %mul3A_257 = vector.broadcast %mul3A_237 : f32 to vector<16xf32>
        %mul3A_258 = arith.mulf %sub3A_256, %mul3A_257 : vector<16xf32>
        %mul3A_259 = arith.mulf %mul3A_258, %get3A_7 : vector<16xf32>
        %add3A_260 = arith.addf %mul3A_259, %get3A_15 : vector<16xf32>
        %swap3A_261 = arith.index_cast %add3A_160 : i32 to index
        %swap3A_262 = arith.constant 32 : index
        %swap3A_263 = tpu.vector_load %arg13[%swap3A_261, %swap3A_262] {strides = array<i32>} : memref<256x64xf32, #tpu.memory_space<vmem>>, vector<16xf32>,
        tpu.vector_store %arg13[%swap3A_261, %swap3A_262], %add3A_260 {strides = array<i32>} : memref<256x64xf32, #tpu.memory_space<vmem>>, vector<16xf32>,
        %sub3A_264 = vector.broadcast %mul3A_203 : f32 to vector<16xf32>
        %sub3A_265 = arith.subf %add3A_188, %sub3A_264 : vector<16xf32>
        %mul3A_266 = vector.broadcast %mul3A_237 : f32 to vector<16xf32>
        %mul3A_267 = arith.mulf %sub3A_265, %mul3A_266 : vector<16xf32>
        %mul3A_268 = arith.mulf %mul3A_267, %get3A_9 : vector<16xf32>
        %add3A_269 = arith.addf %mul3A_268, %get3A_17 : vector<16xf32>
        %swap3A_270 = arith.index_cast %add3A_160 : i32 to index
        %swap3A_271 = arith.constant 48 : index
        %swap3A_272 = tpu.vector_load %arg13[%swap3A_270, %swap3A_271] {strides = array<i32>} : memref<256x64xf32, #tpu.memory_space<vmem>>, vector<16xf32>,
        tpu.vector_store %arg13[%swap3A_270, %swap3A_271], %add3A_269 {strides = array<i32>} : memref<256x64xf32, #tpu.memory_space<vmem>>, vector<16xf32>,
        %mul3A_273 = arith.constant 2 : i32
        %mul3A_274 = arith.muli %scan3A_156, %mul3A_273 : i32
        %add3A_275 = arith.constant 1 : i32
        %add3A_276 = arith.addi %mul3A_274, %add3A_275 : i32
        %get3A_277 = arith.index_cast %add3A_276 : i32 to index
        %get3A_278 = arith.constant 0 : index
        %get3A_279 = tpu.vector_load %arg9[%get3A_277, %get3A_278] {strides = array<i32>} : memref<256x64xf32, #tpu.memory_space<vmem>>, vector<16xf32>,
        %get3A_280 = arith.index_cast %add3A_276 : i32 to index
        %get3A_281 = arith.constant 0 : index
        %get3A_282 = tpu.vector_load %arg11[%get3A_280, %get3A_281] {strides = array<i32>} : memref<256x64xf32, #tpu.memory_space<vmem>>, vector<16xf32>,
        %add3A_283 = arith.addf %get3A_279, %get3A_282 : vector<16xf32>
        %get3A_284 = arith.index_cast %add3A_276 : i32 to index
        %get3A_285 = arith.constant 16 : index
        %get3A_286 = tpu.vector_load %arg9[%get3A_284, %get3A_285] {strides = array<i32>} : memref<256x64xf32, #tpu.memory_space<vmem>>, vector<16xf32>,
        %get3A_287 = arith.index_cast %add3A_276 : i32 to index
        %get3A_288 = arith.constant 16 : index
        %get3A_289 = tpu.vector_load %arg11[%get3A_287, %get3A_288] {strides = array<i32>} : memref<256x64xf32, #tpu.memory_space<vmem>>, vector<16xf32>,
        %add3A_290 = arith.addf %get3A_286, %get3A_289 : vector<16xf32>
        %get3A_291 = arith.index_cast %add3A_276 : i32 to index
        %get3A_292 = arith.constant 32 : index
        %get3A_293 = tpu.vector_load %arg9[%get3A_291, %get3A_292] {strides = array<i32>} : memref<256x64xf32, #tpu.memory_space<vmem>>, vector<16xf32>,
        %get3A_294 = arith.index_cast %add3A_276 : i32 to index
        %get3A_295 = arith.constant 32 : index
        %get3A_296 = tpu.vector_load %arg11[%get3A_294, %get3A_295] {strides = array<i32>} : memref<256x64xf32, #tpu.memory_space<vmem>>, vector<16xf32>,
        %add3A_297 = arith.addf %get3A_293, %get3A_296 : vector<16xf32>
        %get3A_298 = arith.index_cast %add3A_276 : i32 to index
        %get3A_299 = arith.constant 48 : index
        %get3A_300 = tpu.vector_load %arg9[%get3A_298, %get3A_299] {strides = array<i32>} : memref<256x64xf32, #tpu.memory_space<vmem>>, vector<16xf32>,
        %get3A_301 = arith.index_cast %add3A_276 : i32 to index
        %get3A_302 = arith.constant 48 : index
        %get3A_303 = tpu.vector_load %arg11[%get3A_301, %get3A_302] {strides = array<i32>} : memref<256x64xf32, #tpu.memory_space<vmem>>, vector<16xf32>,
        %add3A_304 = arith.addf %get3A_300, %get3A_303 : vector<16xf32>
        %add3A_305 = arith.addf %add3A_283, %add3A_290 : vector<16xf32>
        %add3A_306 = arith.addf %add3A_297, %add3A_304 : vector<16xf32>
        %add3A_307 = arith.addf %add3A_305, %add3A_306 : vector<16xf32>
        %mul3A_308 = arith.mulf %add3A_283, %add3A_283 : vector<16xf32>
        %mul3A_309 = arith.mulf %add3A_290, %add3A_290 : vector<16xf32>
        %add3A_310 = arith.addf %mul3A_308, %mul3A_309 : vector<16xf32>
        %mul3A_311 = arith.mulf %add3A_297, %add3A_297 : vector<16xf32>
        %mul3A_312 = arith.mulf %add3A_304, %add3A_304 : vector<16xf32>
        %add3A_313 = arith.addf %mul3A_311, %mul3A_312 : vector<16xf32>
        %add3A_314 = arith.addf %add3A_310, %add3A_313 : vector<16xf32>
        %reduce_sum3A_315 = arith.constant true
        %reduce_sum3A_316 = vector.broadcast %reduce_sum3A_315 : i1 to vector<16xi1>
        %reduce_sum3A_317 = tpu.scan <sum>, %add3A_307 masked %reduce_sum3A_316 : vector<16xf32>, vector<16xi1> -> vector<16xf32>
        %reduce_sum3A_318 = vector.extract %reduce_sum3A_317[15] : f32 from vector<16xf32>
        %mul3A_319 = arith.constant 1.562500e-02 : f32
        %mul3A_320 = arith.mulf %reduce_sum3A_318, %mul3A_319 : f32
        %reduce_sum3A_321 = arith.constant true
        %reduce_sum3A_322 = vector.broadcast %reduce_sum3A_321 : i1 to vector<16xi1>
        %reduce_sum3A_323 = tpu.scan <sum>, %add3A_314 masked %reduce_sum3A_322 : vector<16xf32>, vector<16xi1> -> vector<16xf32>
        %reduce_sum3A_324 = vector.extract %reduce_sum3A_323[15] : f32 from vector<16xf32>
        %mul3A_325 = arith.constant 1.562500e-02 : f32
        %mul3A_326 = arith.mulf %reduce_sum3A_324, %mul3A_325 : f32
        %mul3A_327 = arith.mulf %mul3A_320, %mul3A_320 : f32
        %sub3A_328 = arith.subf %mul3A_326, %mul3A_327 : f32
        %add3A_329 = arith.constant 9.99999996E-13 : f32
        %add3A_330 = arith.addf %sub3A_328, %add3A_329 : f32
        %bitcast_convert_type3A_331 = arith.bitcast %add3A_330 : f32 to i32
        %shift_right_arithmetic3A_332 = arith.constant 1 : i32
        %shift_right_arithmetic3A_333 = arith.shrsi %bitcast_convert_type3A_331, %shift_right_arithmetic3A_332 : i32
        %sub3A_334 = arith.constant 1597463007 : i32
        %sub3A_335 = arith.subi %sub3A_334, %shift_right_arithmetic3A_333 : i32
        %bitcast_convert_type3A_336 = arith.bitcast %sub3A_335 : i32 to f32
        %mul3A_337 = arith.constant 5.000000e-01 : f32
        %mul3A_338 = arith.mulf %mul3A_337, %add3A_330 : f32
        %mul3A_339 = arith.mulf %mul3A_338, %bitcast_convert_type3A_336 : f32
        %mul3A_340 = arith.mulf %mul3A_339, %bitcast_convert_type3A_336 : f32
        %sub3A_341 = arith.constant 1.500000e+00 : f32
        %sub3A_342 = arith.subf %sub3A_341, %mul3A_340 : f32
        %mul3A_343 = arith.mulf %bitcast_convert_type3A_336, %sub3A_342 : f32
        %mul3A_344 = arith.constant 5.000000e-01 : f32
        %mul3A_345 = arith.mulf %mul3A_344, %add3A_330 : f32
        %mul3A_346 = arith.mulf %mul3A_345, %mul3A_343 : f32
        %mul3A_347 = arith.mulf %mul3A_346, %mul3A_343 : f32
        %sub3A_348 = arith.constant 1.500000e+00 : f32
        %sub3A_349 = arith.subf %sub3A_348, %mul3A_347 : f32
        %mul3A_350 = arith.mulf %mul3A_343, %sub3A_349 : f32
        %mul3A_351 = arith.constant 5.000000e-01 : f32
        %mul3A_352 = arith.mulf %mul3A_351, %add3A_330 : f32
        %mul3A_353 = arith.mulf %mul3A_352, %mul3A_350 : f32
        %mul3A_354 = arith.mulf %mul3A_353, %mul3A_350 : f32
        %sub3A_355 = arith.constant 1.500000e+00 : f32
        %sub3A_356 = arith.subf %sub3A_355, %mul3A_354 : f32
        %mul3A_357 = arith.mulf %mul3A_350, %sub3A_356 : f32
        %sub3A_358 = vector.broadcast %mul3A_320 : f32 to vector<16xf32>
        %sub3A_359 = arith.subf %add3A_283, %sub3A_358 : vector<16xf32>
        %mul3A_360 = vector.broadcast %mul3A_357 : f32 to vector<16xf32>
        %mul3A_361 = arith.mulf %sub3A_359, %mul3A_360 : vector<16xf32>
        %mul3A_362 = arith.mulf %mul3A_361, %get3A_3 : vector<16xf32>
        %add3A_363 = arith.addf %mul3A_362, %get3A_11 : vector<16xf32>
        %swap3A_364 = arith.index_cast %add3A_276 : i32 to index
        %swap3A_365 = arith.constant 0 : index
        %swap3A_366 = tpu.vector_load %arg13[%swap3A_364, %swap3A_365] {strides = array<i32>} : memref<256x64xf32, #tpu.memory_space<vmem>>, vector<16xf32>,
        tpu.vector_store %arg13[%swap3A_364, %swap3A_365], %add3A_363 {strides = array<i32>} : memref<256x64xf32, #tpu.memory_space<vmem>>, vector<16xf32>,
        %sub3A_367 = vector.broadcast %mul3A_320 : f32 to vector<16xf32>
        %sub3A_368 = arith.subf %add3A_290, %sub3A_367 : vector<16xf32>
        %mul3A_369 = vector.broadcast %mul3A_357 : f32 to vector<16xf32>
        %mul3A_370 = arith.mulf %sub3A_368, %mul3A_369 : vector<16xf32>
        %mul3A_371 = arith.mulf %mul3A_370, %get3A_5 : vector<16xf32>
        %add3A_372 = arith.addf %mul3A_371, %get3A_13 : vector<16xf32>
        %swap3A_373 = arith.index_cast %add3A_276 : i32 to index
        %swap3A_374 = arith.constant 16 : index
        %swap3A_375 = tpu.vector_load %arg13[%swap3A_373, %swap3A_374] {strides = array<i32>} : memref<256x64xf32, #tpu.memory_space<vmem>>, vector<16xf32>,
        tpu.vector_store %arg13[%swap3A_373, %swap3A_374], %add3A_372 {strides = array<i32>} : memref<256x64xf32, #tpu.memory_space<vmem>>, vector<16xf32>,
        %sub3A_376 = vector.broadcast %mul3A_320 : f32 to vector<16xf32>
        %sub3A_377 = arith.subf %add3A_297, %sub3A_376 : vector<16xf32>
        %mul3A_378 = vector.broadcast %mul3A_357 : f32 to vector<16xf32>
        %mul3A_379 = arith.mulf %sub3A_377, %mul3A_378 : vector<16xf32>
        %mul3A_380 = arith.mulf %mul3A_379, %get3A_7 : vector<16xf32>
        %add3A_381 = arith.addf %mul3A_380, %get3A_15 : vector<16xf32>
        %swap3A_382 = arith.index_cast %add3A_276 : i32 to index
        %swap3A_383 = arith.constant 32 : index
        %swap3A_384 = tpu.vector_load %arg13[%swap3A_382, %swap3A_383] {strides = array<i32>} : memref<256x64xf32, #tpu.memory_space<vmem>>, vector<16xf32>,
        tpu.vector_store %arg13[%swap3A_382, %swap3A_383], %add3A_381 {strides = array<i32>} : memref<256x64xf32, #tpu.memory_space<vmem>>, vector<16xf32>,
        %sub3A_385 = vector.broadcast %mul3A_320 : f32 to vector<16xf32>
        %sub3A_386 = arith.subf %add3A_304, %sub3A_385 : vector<16xf32>
        %mul3A_387 = vector.broadcast %mul3A_357 : f32 to vector<16xf32>
        %mul3A_388 = arith.mulf %sub3A_386, %mul3A_387 : vector<16xf32>
        %mul3A_389 = arith.mulf %mul3A_388, %get3A_9 : vector<16xf32>
        %add3A_390 = arith.addf %mul3A_389, %get3A_17 : vector<16xf32>
        %swap3A_391 = arith.index_cast %add3A_276 : i32 to index
        %swap3A_392 = arith.constant 48 : index
        %swap3A_393 = tpu.vector_load %arg13[%swap3A_391, %swap3A_392] {strides = array<i32>} : memref<256x64xf32, #tpu.memory_space<vmem>>, vector<16xf32>,
        tpu.vector_store %arg13[%swap3A_391, %swap3A_392], %add3A_390 {strides = array<i32>} : memref<256x64xf32, #tpu.memory_space<vmem>>, vector<16xf32>,
      }
      %scan3A_120 = arith.constant 128 : i32
      %dma_start3A_121 = arith.constant 0 : i32
      %dma_start3A_122 = tpu.memref_slice %arg8[%add3A_66, %dma_start3A_121] : memref<819200x64xf32, #tpu.memory_space<hbm>> -> memref<256x64xf32, #tpu.memory_space<hbm>>
      %dma_start3A_123 = arith.constant 0 : i32
      %dma_start3A_124 = tpu.memref_slice %arg8[%add3A_66, %dma_start3A_123] : memref<819200x64xf32, #tpu.memory_space<hbm>> -> memref<256x64xf32, #tpu.memory_space<hbm>>
      tpu.enqueue_dma source(%arg13 : memref<256x64xf32, #tpu.memory_space<vmem>>) target(%dma_start3A_124 : memref<256x64xf32, #tpu.memory_space<hbm>>) target_semaphore(%arg23 : memref<!tpu.dma_semaphore, #tpu.memory_space<semaphore_mem>>)
      %lt3A = arith.constant 49 : i32
      %lt3A_125 = arith.cmpi slt, %scan3A_61, %lt3A : i32
      %convert_element_type3A_126 = arith.extui %lt3A_125 : i1 to i32
      %cond3A_127 = arith.constant 0 : i32
      %cond3A_128 = arith.cmpi ne, %convert_element_type3A_126, %cond3A_127 : i32
      scf.if %cond3A_128 {
        %add3A_156 = arith.constant 256 : i32
        %add3A_157 = arith.addi %add3A_68, %add3A_156 : i32
        "tpu.region"() ({
          %run_scoped3A = tpu.sem_alloc : memref<!tpu.dma_semaphore, #tpu.memory_space<semaphore_mem>>
          %dma_start3A_190 = tpu.memref_slice %arg2[%add3A_157] : memref<819200xi32, #tpu.memory_space<hbm>> -> memref<256xi32, #tpu.memory_space<hbm>>
          %dma_start3A_191 = tpu.memref_slice %arg2[%add3A_157] : memref<819200xi32, #tpu.memory_space<hbm>> -> memref<256xi32, #tpu.memory_space<hbm>>
          tpu.enqueue_dma source(%dma_start3A_191 : memref<256xi32, #tpu.memory_space<hbm>>) target(%arg15 : memref<256xi32, #tpu.memory_space<vmem>>) target_semaphore(%run_scoped3A : memref<!tpu.dma_semaphore, #tpu.memory_space<semaphore_mem>>)
          %dma_wait3A_192 = tpu.memref_slice %arg2[%add3A_157] : memref<819200xi32, #tpu.memory_space<hbm>> -> memref<256xi32, #tpu.memory_space<hbm>>
          %dma_wait3A_193 = tpu.memref_slice %arg2[%add3A_157] : memref<819200xi32, #tpu.memory_space<hbm>> -> memref<256xi32, #tpu.memory_space<hbm>>
          tpu.wait_dma2 semaphore(%run_scoped3A : memref<!tpu.dma_semaphore, #tpu.memory_space<semaphore_mem>>) src(%dma_wait3A_193 : memref<256xi32, #tpu.memory_space<hbm>>) dst(%arg15 : memref<256xi32, #tpu.memory_space<vmem>>)
          tpu.yield
        }) : () -> ()
        "tpu.region"() ({
          %run_scoped3A = tpu.sem_alloc : memref<!tpu.dma_semaphore, #tpu.memory_space<semaphore_mem>>
          %dma_start3A_190 = tpu.memref_slice %arg3[%add3A_157] : memref<819200xi32, #tpu.memory_space<hbm>> -> memref<256xi32, #tpu.memory_space<hbm>>
          %dma_start3A_191 = tpu.memref_slice %arg3[%add3A_157] : memref<819200xi32, #tpu.memory_space<hbm>> -> memref<256xi32, #tpu.memory_space<hbm>>
          tpu.enqueue_dma source(%dma_start3A_191 : memref<256xi32, #tpu.memory_space<hbm>>) target(%arg17 : memref<256xi32, #tpu.memory_space<vmem>>) target_semaphore(%run_scoped3A : memref<!tpu.dma_semaphore, #tpu.memory_space<semaphore_mem>>)
          %dma_wait3A_192 = tpu.memref_slice %arg3[%add3A_157] : memref<819200xi32, #tpu.memory_space<hbm>> -> memref<256xi32, #tpu.memory_space<hbm>>
          %dma_wait3A_193 = tpu.memref_slice %arg3[%add3A_157] : memref<819200xi32, #tpu.memory_space<hbm>> -> memref<256xi32, #tpu.memory_space<hbm>>
          tpu.wait_dma2 semaphore(%run_scoped3A : memref<!tpu.dma_semaphore, #tpu.memory_space<semaphore_mem>>) src(%dma_wait3A_193 : memref<256xi32, #tpu.memory_space<hbm>>) dst(%arg17 : memref<256xi32, #tpu.memory_space<vmem>>)
          tpu.yield
        }) : () -> ()
        %dma_start3A_158 = arith.constant 0 : i32
        %dma_start3A_159 = arith.constant 0 : i32
        %dma_start3A_160 = tpu.memref_slice %arg9[%dma_start3A_158, %dma_start3A_159] : memref<256x64xf32, #tpu.memory_space<vmem>> -> memref<128x64xf32, #tpu.memory_space<vmem>>
        %dma_start3A_161 = arith.constant 0 : i32
        %dma_start3A_162 = tpu.memref_slice %arg15[%dma_start3A_161] : memref<256xi32, #tpu.memory_space<vmem>> -> memref<128xi32, #tpu.memory_space<vmem>>
        %dma_start3A_163 = arith.constant 0 : i32
        %dma_start3A_164 = arith.constant 0 : i32
        %dma_start3A_165 = tpu.memref_slice %arg4[%dma_start3A_163, %dma_start3A_164] : memref<1000000x64xf32, #tpu.memory_space<hbm>> -> memref<1000000x64xf32, #tpu.memory_space<hbm>>
        tpu.enqueue_indirect_dma source(%dma_start3A_165 : memref<1000000x64xf32, #tpu.memory_space<hbm>>) target(%dma_start3A_160 : memref<128x64xf32, #tpu.memory_space<vmem>>) offsets(%dma_start3A_162 : memref<128xi32, #tpu.memory_space<vmem>>) semaphore(%arg21 : memref<!tpu.dma_semaphore, #tpu.memory_space<semaphore_mem>>)
        %dma_start3A_166 = arith.constant 0 : i32
        %dma_start3A_167 = arith.constant 0 : i32
        %dma_start3A_168 = tpu.memref_slice %arg11[%dma_start3A_166, %dma_start3A_167] : memref<256x64xf32, #tpu.memory_space<vmem>> -> memref<128x64xf32, #tpu.memory_space<vmem>>
        %dma_start3A_169 = arith.constant 0 : i32
        %dma_start3A_170 = tpu.memref_slice %arg17[%dma_start3A_169] : memref<256xi32, #tpu.memory_space<vmem>> -> memref<128xi32, #tpu.memory_space<vmem>>
        %dma_start3A_171 = arith.constant 0 : i32
        %dma_start3A_172 = arith.constant 0 : i32
        %dma_start3A_173 = tpu.memref_slice %arg5[%dma_start3A_171, %dma_start3A_172] : memref<1024x64xf32, #tpu.memory_space<hbm>> -> memref<1024x64xf32, #tpu.memory_space<hbm>>
        tpu.enqueue_indirect_dma source(%dma_start3A_173 : memref<1024x64xf32, #tpu.memory_space<hbm>>) target(%dma_start3A_168 : memref<128x64xf32, #tpu.memory_space<vmem>>) offsets(%dma_start3A_170 : memref<128xi32, #tpu.memory_space<vmem>>) semaphore(%arg21 : memref<!tpu.dma_semaphore, #tpu.memory_space<semaphore_mem>>)
        %dma_start3A_174 = arith.constant 128 : i32
        %dma_start3A_175 = arith.constant 0 : i32
        %dma_start3A_176 = tpu.memref_slice %arg9[%dma_start3A_174, %dma_start3A_175] : memref<256x64xf32, #tpu.memory_space<vmem>> -> memref<128x64xf32, #tpu.memory_space<vmem>>
        %dma_start3A_177 = arith.constant 128 : i32
        %dma_start3A_178 = tpu.memref_slice %arg15[%dma_start3A_177] : memref<256xi32, #tpu.memory_space<vmem>> -> memref<128xi32, #tpu.memory_space<vmem>>
        %dma_start3A_179 = arith.constant 0 : i32
        %dma_start3A_180 = arith.constant 0 : i32
        %dma_start3A_181 = tpu.memref_slice %arg4[%dma_start3A_179, %dma_start3A_180] : memref<1000000x64xf32, #tpu.memory_space<hbm>> -> memref<1000000x64xf32, #tpu.memory_space<hbm>>
        tpu.enqueue_indirect_dma source(%dma_start3A_181 : memref<1000000x64xf32, #tpu.memory_space<hbm>>) target(%dma_start3A_176 : memref<128x64xf32, #tpu.memory_space<vmem>>) offsets(%dma_start3A_178 : memref<128xi32, #tpu.memory_space<vmem>>) semaphore(%arg21 : memref<!tpu.dma_semaphore, #tpu.memory_space<semaphore_mem>>)
        %dma_start3A_182 = arith.constant 128 : i32
        %dma_start3A_183 = arith.constant 0 : i32
        %dma_start3A_184 = tpu.memref_slice %arg11[%dma_start3A_182, %dma_start3A_183] : memref<256x64xf32, #tpu.memory_space<vmem>> -> memref<128x64xf32, #tpu.memory_space<vmem>>
        %dma_start3A_185 = arith.constant 128 : i32
        %dma_start3A_186 = tpu.memref_slice %arg17[%dma_start3A_185] : memref<256xi32, #tpu.memory_space<vmem>> -> memref<128xi32, #tpu.memory_space<vmem>>
        %dma_start3A_187 = arith.constant 0 : i32
        %dma_start3A_188 = arith.constant 0 : i32
        %dma_start3A_189 = tpu.memref_slice %arg5[%dma_start3A_187, %dma_start3A_188] : memref<1024x64xf32, #tpu.memory_space<hbm>> -> memref<1024x64xf32, #tpu.memory_space<hbm>>
        tpu.enqueue_indirect_dma source(%dma_start3A_189 : memref<1024x64xf32, #tpu.memory_space<hbm>>) target(%dma_start3A_184 : memref<128x64xf32, #tpu.memory_space<vmem>>) offsets(%dma_start3A_186 : memref<128xi32, #tpu.memory_space<vmem>>) semaphore(%arg21 : memref<!tpu.dma_semaphore, #tpu.memory_space<semaphore_mem>>)
      } else {
      }
      %dma_wait3A_129 = arith.constant 0 : i32
      %dma_wait3A_130 = arith.constant 0 : i32
      %dma_wait3A_131 = tpu.memref_slice %arg4[%dma_wait3A_129, %dma_wait3A_130] : memref<1000000x64xf32, #tpu.memory_space<hbm>> -> memref<256x64xf32, #tpu.memory_space<hbm>>
      %dma_wait3A_132 = arith.constant 0 : i32
      %dma_wait3A_133 = arith.constant 0 : i32
      %dma_wait3A_134 = tpu.memref_slice %arg4[%dma_wait3A_132, %dma_wait3A_133] : memref<1000000x64xf32, #tpu.memory_space<hbm>> -> memref<256x64xf32, #tpu.memory_space<hbm>>
      tpu.wait_dma2 semaphore(%arg22 : memref<!tpu.dma_semaphore, #tpu.memory_space<semaphore_mem>>) src(%dma_wait3A_134 : memref<256x64xf32, #tpu.memory_space<hbm>>) dst(%arg10 : memref<256x64xf32, #tpu.memory_space<vmem>>)
      %dma_wait3A_135 = arith.constant 0 : i32
      %dma_wait3A_136 = arith.constant 0 : i32
      %dma_wait3A_137 = tpu.memref_slice %arg5[%dma_wait3A_135, %dma_wait3A_136] : memref<1024x64xf32, #tpu.memory_space<hbm>> -> memref<256x64xf32, #tpu.memory_space<hbm>>
      %dma_wait3A_138 = arith.constant 0 : i32
      %dma_wait3A_139 = arith.constant 0 : i32
      %dma_wait3A_140 = tpu.memref_slice %arg5[%dma_wait3A_138, %dma_wait3A_139] : memref<1024x64xf32, #tpu.memory_space<hbm>> -> memref<256x64xf32, #tpu.memory_space<hbm>>
      tpu.wait_dma2 semaphore(%arg22 : memref<!tpu.dma_semaphore, #tpu.memory_space<semaphore_mem>>) src(%dma_wait3A_140 : memref<256x64xf32, #tpu.memory_space<hbm>>) dst(%arg12 : memref<256x64xf32, #tpu.memory_space<vmem>>)
      %gt3A_141 = arith.constant 0 : i32
      %gt3A_142 = arith.cmpi sgt, %scan3A_61, %gt3A_141 : i32
      %convert_element_type3A_143 = arith.extui %gt3A_142 : i1 to i32
      %cond3A_144 = arith.constant 0 : i32
      %cond3A_145 = arith.cmpi ne, %convert_element_type3A_143, %cond3A_144 : i32
      scf.if %cond3A_145 {
        %dma_wait3A_156 = arith.constant 0 : i32
        %dma_wait3A_157 = tpu.memref_slice %arg8[%add3A_68, %dma_wait3A_156] : memref<819200x64xf32, #tpu.memory_space<hbm>> -> memref<256x64xf32, #tpu.memory_space<hbm>>
        %dma_wait3A_158 = arith.constant 0 : i32
        %dma_wait3A_159 = tpu.memref_slice %arg8[%add3A_68, %dma_wait3A_158] : memref<819200x64xf32, #tpu.memory_space<hbm>> -> memref<256x64xf32, #tpu.memory_space<hbm>>
        tpu.wait_dma2 semaphore(%arg24 : memref<!tpu.dma_semaphore, #tpu.memory_space<semaphore_mem>>) src(%arg14 : memref<256x64xf32, #tpu.memory_space<vmem>>) dst(%dma_wait3A_159 : memref<256x64xf32, #tpu.memory_space<hbm>>)
      } else {
      }
      %scan3A_146 = arith.constant 0 : i32
      %scan3A_147 = arith.constant 0 : i32
      %scan3A_148 = arith.constant 128 : i32
      %scan3A_149 = arith.addi %scan3A_147, %scan3A_148 : i32
      %scan3A_150 = arith.constant 1 : i32
      scf.for %scan3A_156 = %scan3A_147 to %scan3A_149 step %scan3A_150  : i32 {
        %mul3A_157 = arith.constant 2 : i32
        %mul3A_158 = arith.muli %scan3A_156, %mul3A_157 : i32
        %add3A_159 = arith.constant 0 : i32
        %add3A_160 = arith.addi %mul3A_158, %add3A_159 : i32
        %get3A_161 = arith.index_cast %add3A_160 : i32 to index
        %get3A_162 = arith.constant 0 : index
        %get3A_163 = tpu.vector_load %arg10[%get3A_161, %get3A_162] {strides = array<i32>} : memref<256x64xf32, #tpu.memory_space<vmem>>, vector<16xf32>,
        %get3A_164 = arith.index_cast %add3A_160 : i32 to index
        %get3A_165 = arith.constant 0 : index
        %get3A_166 = tpu.vector_load %arg12[%get3A_164, %get3A_165] {strides = array<i32>} : memref<256x64xf32, #tpu.memory_space<vmem>>, vector<16xf32>,
        %add3A_167 = arith.addf %get3A_163, %get3A_166 : vector<16xf32>
        %get3A_168 = arith.index_cast %add3A_160 : i32 to index
        %get3A_169 = arith.constant 16 : index
        %get3A_170 = tpu.vector_load %arg10[%get3A_168, %get3A_169] {strides = array<i32>} : memref<256x64xf32, #tpu.memory_space<vmem>>, vector<16xf32>,
        %get3A_171 = arith.index_cast %add3A_160 : i32 to index
        %get3A_172 = arith.constant 16 : index
        %get3A_173 = tpu.vector_load %arg12[%get3A_171, %get3A_172] {strides = array<i32>} : memref<256x64xf32, #tpu.memory_space<vmem>>, vector<16xf32>,
        %add3A_174 = arith.addf %get3A_170, %get3A_173 : vector<16xf32>
        %get3A_175 = arith.index_cast %add3A_160 : i32 to index
        %get3A_176 = arith.constant 32 : index
        %get3A_177 = tpu.vector_load %arg10[%get3A_175, %get3A_176] {strides = array<i32>} : memref<256x64xf32, #tpu.memory_space<vmem>>, vector<16xf32>,
        %get3A_178 = arith.index_cast %add3A_160 : i32 to index
        %get3A_179 = arith.constant 32 : index
        %get3A_180 = tpu.vector_load %arg12[%get3A_178, %get3A_179] {strides = array<i32>} : memref<256x64xf32, #tpu.memory_space<vmem>>, vector<16xf32>,
        %add3A_181 = arith.addf %get3A_177, %get3A_180 : vector<16xf32>
        %get3A_182 = arith.index_cast %add3A_160 : i32 to index
        %get3A_183 = arith.constant 48 : index
        %get3A_184 = tpu.vector_load %arg10[%get3A_182, %get3A_183] {strides = array<i32>} : memref<256x64xf32, #tpu.memory_space<vmem>>, vector<16xf32>,
        %get3A_185 = arith.index_cast %add3A_160 : i32 to index
        %get3A_186 = arith.constant 48 : index
        %get3A_187 = tpu.vector_load %arg12[%get3A_185, %get3A_186] {strides = array<i32>} : memref<256x64xf32, #tpu.memory_space<vmem>>, vector<16xf32>,
        %add3A_188 = arith.addf %get3A_184, %get3A_187 : vector<16xf32>
        %add3A_189 = arith.addf %add3A_167, %add3A_174 : vector<16xf32>
        %add3A_190 = arith.addf %add3A_181, %add3A_188 : vector<16xf32>
        %add3A_191 = arith.addf %add3A_189, %add3A_190 : vector<16xf32>
        %mul3A_192 = arith.mulf %add3A_167, %add3A_167 : vector<16xf32>
        %mul3A_193 = arith.mulf %add3A_174, %add3A_174 : vector<16xf32>
        %add3A_194 = arith.addf %mul3A_192, %mul3A_193 : vector<16xf32>
        %mul3A_195 = arith.mulf %add3A_181, %add3A_181 : vector<16xf32>
        %mul3A_196 = arith.mulf %add3A_188, %add3A_188 : vector<16xf32>
        %add3A_197 = arith.addf %mul3A_195, %mul3A_196 : vector<16xf32>
        %add3A_198 = arith.addf %add3A_194, %add3A_197 : vector<16xf32>
        %reduce_sum3A = arith.constant true
        %reduce_sum3A_199 = vector.broadcast %reduce_sum3A : i1 to vector<16xi1>
        %reduce_sum3A_200 = tpu.scan <sum>, %add3A_191 masked %reduce_sum3A_199 : vector<16xf32>, vector<16xi1> -> vector<16xf32>
        %reduce_sum3A_201 = vector.extract %reduce_sum3A_200[15] : f32 from vector<16xf32>
        %mul3A_202 = arith.constant 1.562500e-02 : f32
        %mul3A_203 = arith.mulf %reduce_sum3A_201, %mul3A_202 : f32
        %reduce_sum3A_204 = arith.constant true
        %reduce_sum3A_205 = vector.broadcast %reduce_sum3A_204 : i1 to vector<16xi1>
        %reduce_sum3A_206 = tpu.scan <sum>, %add3A_198 masked %reduce_sum3A_205 : vector<16xf32>, vector<16xi1> -> vector<16xf32>
        %reduce_sum3A_207 = vector.extract %reduce_sum3A_206[15] : f32 from vector<16xf32>
        %mul3A_208 = arith.constant 1.562500e-02 : f32
        %mul3A_209 = arith.mulf %reduce_sum3A_207, %mul3A_208 : f32
        %mul3A_210 = arith.mulf %mul3A_203, %mul3A_203 : f32
        %sub3A = arith.subf %mul3A_209, %mul3A_210 : f32
        %add3A_211 = arith.constant 9.99999996E-13 : f32
        %add3A_212 = arith.addf %sub3A, %add3A_211 : f32
        %bitcast_convert_type3A = arith.bitcast %add3A_212 : f32 to i32
        %shift_right_arithmetic3A = arith.constant 1 : i32
        %shift_right_arithmetic3A_213 = arith.shrsi %bitcast_convert_type3A, %shift_right_arithmetic3A : i32
        %sub3A_214 = arith.constant 1597463007 : i32
        %sub3A_215 = arith.subi %sub3A_214, %shift_right_arithmetic3A_213 : i32
        %bitcast_convert_type3A_216 = arith.bitcast %sub3A_215 : i32 to f32
        %mul3A_217 = arith.constant 5.000000e-01 : f32
        %mul3A_218 = arith.mulf %mul3A_217, %add3A_212 : f32
        %mul3A_219 = arith.mulf %mul3A_218, %bitcast_convert_type3A_216 : f32
        %mul3A_220 = arith.mulf %mul3A_219, %bitcast_convert_type3A_216 : f32
        %sub3A_221 = arith.constant 1.500000e+00 : f32
        %sub3A_222 = arith.subf %sub3A_221, %mul3A_220 : f32
        %mul3A_223 = arith.mulf %bitcast_convert_type3A_216, %sub3A_222 : f32
        %mul3A_224 = arith.constant 5.000000e-01 : f32
        %mul3A_225 = arith.mulf %mul3A_224, %add3A_212 : f32
        %mul3A_226 = arith.mulf %mul3A_225, %mul3A_223 : f32
        %mul3A_227 = arith.mulf %mul3A_226, %mul3A_223 : f32
        %sub3A_228 = arith.constant 1.500000e+00 : f32
        %sub3A_229 = arith.subf %sub3A_228, %mul3A_227 : f32
        %mul3A_230 = arith.mulf %mul3A_223, %sub3A_229 : f32
        %mul3A_231 = arith.constant 5.000000e-01 : f32
        %mul3A_232 = arith.mulf %mul3A_231, %add3A_212 : f32
        %mul3A_233 = arith.mulf %mul3A_232, %mul3A_230 : f32
        %mul3A_234 = arith.mulf %mul3A_233, %mul3A_230 : f32
        %sub3A_235 = arith.constant 1.500000e+00 : f32
        %sub3A_236 = arith.subf %sub3A_235, %mul3A_234 : f32
        %mul3A_237 = arith.mulf %mul3A_230, %sub3A_236 : f32
        %sub3A_238 = vector.broadcast %mul3A_203 : f32 to vector<16xf32>
        %sub3A_239 = arith.subf %add3A_167, %sub3A_238 : vector<16xf32>
        %mul3A_240 = vector.broadcast %mul3A_237 : f32 to vector<16xf32>
        %mul3A_241 = arith.mulf %sub3A_239, %mul3A_240 : vector<16xf32>
        %mul3A_242 = arith.mulf %mul3A_241, %get3A_3 : vector<16xf32>
        %add3A_243 = arith.addf %mul3A_242, %get3A_11 : vector<16xf32>
        %swap3A = arith.index_cast %add3A_160 : i32 to index
        %swap3A_244 = arith.constant 0 : index
        %swap3A_245 = tpu.vector_load %arg14[%swap3A, %swap3A_244] {strides = array<i32>} : memref<256x64xf32, #tpu.memory_space<vmem>>, vector<16xf32>,
        tpu.vector_store %arg14[%swap3A, %swap3A_244], %add3A_243 {strides = array<i32>} : memref<256x64xf32, #tpu.memory_space<vmem>>, vector<16xf32>,
        %sub3A_246 = vector.broadcast %mul3A_203 : f32 to vector<16xf32>
        %sub3A_247 = arith.subf %add3A_174, %sub3A_246 : vector<16xf32>
        %mul3A_248 = vector.broadcast %mul3A_237 : f32 to vector<16xf32>
        %mul3A_249 = arith.mulf %sub3A_247, %mul3A_248 : vector<16xf32>
        %mul3A_250 = arith.mulf %mul3A_249, %get3A_5 : vector<16xf32>
        %add3A_251 = arith.addf %mul3A_250, %get3A_13 : vector<16xf32>
        %swap3A_252 = arith.index_cast %add3A_160 : i32 to index
        %swap3A_253 = arith.constant 16 : index
        %swap3A_254 = tpu.vector_load %arg14[%swap3A_252, %swap3A_253] {strides = array<i32>} : memref<256x64xf32, #tpu.memory_space<vmem>>, vector<16xf32>,
        tpu.vector_store %arg14[%swap3A_252, %swap3A_253], %add3A_251 {strides = array<i32>} : memref<256x64xf32, #tpu.memory_space<vmem>>, vector<16xf32>,
        %sub3A_255 = vector.broadcast %mul3A_203 : f32 to vector<16xf32>
        %sub3A_256 = arith.subf %add3A_181, %sub3A_255 : vector<16xf32>
        %mul3A_257 = vector.broadcast %mul3A_237 : f32 to vector<16xf32>
        %mul3A_258 = arith.mulf %sub3A_256, %mul3A_257 : vector<16xf32>
        %mul3A_259 = arith.mulf %mul3A_258, %get3A_7 : vector<16xf32>
        %add3A_260 = arith.addf %mul3A_259, %get3A_15 : vector<16xf32>
        %swap3A_261 = arith.index_cast %add3A_160 : i32 to index
        %swap3A_262 = arith.constant 32 : index
        %swap3A_263 = tpu.vector_load %arg14[%swap3A_261, %swap3A_262] {strides = array<i32>} : memref<256x64xf32, #tpu.memory_space<vmem>>, vector<16xf32>,
        tpu.vector_store %arg14[%swap3A_261, %swap3A_262], %add3A_260 {strides = array<i32>} : memref<256x64xf32, #tpu.memory_space<vmem>>, vector<16xf32>,
        %sub3A_264 = vector.broadcast %mul3A_203 : f32 to vector<16xf32>
        %sub3A_265 = arith.subf %add3A_188, %sub3A_264 : vector<16xf32>
        %mul3A_266 = vector.broadcast %mul3A_237 : f32 to vector<16xf32>
        %mul3A_267 = arith.mulf %sub3A_265, %mul3A_266 : vector<16xf32>
        %mul3A_268 = arith.mulf %mul3A_267, %get3A_9 : vector<16xf32>
        %add3A_269 = arith.addf %mul3A_268, %get3A_17 : vector<16xf32>
        %swap3A_270 = arith.index_cast %add3A_160 : i32 to index
        %swap3A_271 = arith.constant 48 : index
        %swap3A_272 = tpu.vector_load %arg14[%swap3A_270, %swap3A_271] {strides = array<i32>} : memref<256x64xf32, #tpu.memory_space<vmem>>, vector<16xf32>,
        tpu.vector_store %arg14[%swap3A_270, %swap3A_271], %add3A_269 {strides = array<i32>} : memref<256x64xf32, #tpu.memory_space<vmem>>, vector<16xf32>,
        %mul3A_273 = arith.constant 2 : i32
        %mul3A_274 = arith.muli %scan3A_156, %mul3A_273 : i32
        %add3A_275 = arith.constant 1 : i32
        %add3A_276 = arith.addi %mul3A_274, %add3A_275 : i32
        %get3A_277 = arith.index_cast %add3A_276 : i32 to index
        %get3A_278 = arith.constant 0 : index
        %get3A_279 = tpu.vector_load %arg10[%get3A_277, %get3A_278] {strides = array<i32>} : memref<256x64xf32, #tpu.memory_space<vmem>>, vector<16xf32>,
        %get3A_280 = arith.index_cast %add3A_276 : i32 to index
        %get3A_281 = arith.constant 0 : index
        %get3A_282 = tpu.vector_load %arg12[%get3A_280, %get3A_281] {strides = array<i32>} : memref<256x64xf32, #tpu.memory_space<vmem>>, vector<16xf32>,
        %add3A_283 = arith.addf %get3A_279, %get3A_282 : vector<16xf32>
        %get3A_284 = arith.index_cast %add3A_276 : i32 to index
        %get3A_285 = arith.constant 16 : index
        %get3A_286 = tpu.vector_load %arg10[%get3A_284, %get3A_285] {strides = array<i32>} : memref<256x64xf32, #tpu.memory_space<vmem>>, vector<16xf32>,
        %get3A_287 = arith.index_cast %add3A_276 : i32 to index
        %get3A_288 = arith.constant 16 : index
        %get3A_289 = tpu.vector_load %arg12[%get3A_287, %get3A_288] {strides = array<i32>} : memref<256x64xf32, #tpu.memory_space<vmem>>, vector<16xf32>,
        %add3A_290 = arith.addf %get3A_286, %get3A_289 : vector<16xf32>
        %get3A_291 = arith.index_cast %add3A_276 : i32 to index
        %get3A_292 = arith.constant 32 : index
        %get3A_293 = tpu.vector_load %arg10[%get3A_291, %get3A_292] {strides = array<i32>} : memref<256x64xf32, #tpu.memory_space<vmem>>, vector<16xf32>,
        %get3A_294 = arith.index_cast %add3A_276 : i32 to index
        %get3A_295 = arith.constant 32 : index
        %get3A_296 = tpu.vector_load %arg12[%get3A_294, %get3A_295] {strides = array<i32>} : memref<256x64xf32, #tpu.memory_space<vmem>>, vector<16xf32>,
        %add3A_297 = arith.addf %get3A_293, %get3A_296 : vector<16xf32>
        %get3A_298 = arith.index_cast %add3A_276 : i32 to index
        %get3A_299 = arith.constant 48 : index
        %get3A_300 = tpu.vector_load %arg10[%get3A_298, %get3A_299] {strides = array<i32>} : memref<256x64xf32, #tpu.memory_space<vmem>>, vector<16xf32>,
        %get3A_301 = arith.index_cast %add3A_276 : i32 to index
        %get3A_302 = arith.constant 48 : index
        %get3A_303 = tpu.vector_load %arg12[%get3A_301, %get3A_302] {strides = array<i32>} : memref<256x64xf32, #tpu.memory_space<vmem>>, vector<16xf32>,
        %add3A_304 = arith.addf %get3A_300, %get3A_303 : vector<16xf32>
        %add3A_305 = arith.addf %add3A_283, %add3A_290 : vector<16xf32>
        %add3A_306 = arith.addf %add3A_297, %add3A_304 : vector<16xf32>
        %add3A_307 = arith.addf %add3A_305, %add3A_306 : vector<16xf32>
        %mul3A_308 = arith.mulf %add3A_283, %add3A_283 : vector<16xf32>
        %mul3A_309 = arith.mulf %add3A_290, %add3A_290 : vector<16xf32>
        %add3A_310 = arith.addf %mul3A_308, %mul3A_309 : vector<16xf32>
        %mul3A_311 = arith.mulf %add3A_297, %add3A_297 : vector<16xf32>
        %mul3A_312 = arith.mulf %add3A_304, %add3A_304 : vector<16xf32>
        %add3A_313 = arith.addf %mul3A_311, %mul3A_312 : vector<16xf32>
        %add3A_314 = arith.addf %add3A_310, %add3A_313 : vector<16xf32>
        %reduce_sum3A_315 = arith.constant true
        %reduce_sum3A_316 = vector.broadcast %reduce_sum3A_315 : i1 to vector<16xi1>
        %reduce_sum3A_317 = tpu.scan <sum>, %add3A_307 masked %reduce_sum3A_316 : vector<16xf32>, vector<16xi1> -> vector<16xf32>
        %reduce_sum3A_318 = vector.extract %reduce_sum3A_317[15] : f32 from vector<16xf32>
        %mul3A_319 = arith.constant 1.562500e-02 : f32
        %mul3A_320 = arith.mulf %reduce_sum3A_318, %mul3A_319 : f32
        %reduce_sum3A_321 = arith.constant true
        %reduce_sum3A_322 = vector.broadcast %reduce_sum3A_321 : i1 to vector<16xi1>
        %reduce_sum3A_323 = tpu.scan <sum>, %add3A_314 masked %reduce_sum3A_322 : vector<16xf32>, vector<16xi1> -> vector<16xf32>
        %reduce_sum3A_324 = vector.extract %reduce_sum3A_323[15] : f32 from vector<16xf32>
        %mul3A_325 = arith.constant 1.562500e-02 : f32
        %mul3A_326 = arith.mulf %reduce_sum3A_324, %mul3A_325 : f32
        %mul3A_327 = arith.mulf %mul3A_320, %mul3A_320 : f32
        %sub3A_328 = arith.subf %mul3A_326, %mul3A_327 : f32
        %add3A_329 = arith.constant 9.99999996E-13 : f32
        %add3A_330 = arith.addf %sub3A_328, %add3A_329 : f32
        %bitcast_convert_type3A_331 = arith.bitcast %add3A_330 : f32 to i32
        %shift_right_arithmetic3A_332 = arith.constant 1 : i32
        %shift_right_arithmetic3A_333 = arith.shrsi %bitcast_convert_type3A_331, %shift_right_arithmetic3A_332 : i32
        %sub3A_334 = arith.constant 1597463007 : i32
        %sub3A_335 = arith.subi %sub3A_334, %shift_right_arithmetic3A_333 : i32
        %bitcast_convert_type3A_336 = arith.bitcast %sub3A_335 : i32 to f32
        %mul3A_337 = arith.constant 5.000000e-01 : f32
        %mul3A_338 = arith.mulf %mul3A_337, %add3A_330 : f32
        %mul3A_339 = arith.mulf %mul3A_338, %bitcast_convert_type3A_336 : f32
        %mul3A_340 = arith.mulf %mul3A_339, %bitcast_convert_type3A_336 : f32
        %sub3A_341 = arith.constant 1.500000e+00 : f32
        %sub3A_342 = arith.subf %sub3A_341, %mul3A_340 : f32
        %mul3A_343 = arith.mulf %bitcast_convert_type3A_336, %sub3A_342 : f32
        %mul3A_344 = arith.constant 5.000000e-01 : f32
        %mul3A_345 = arith.mulf %mul3A_344, %add3A_330 : f32
        %mul3A_346 = arith.mulf %mul3A_345, %mul3A_343 : f32
        %mul3A_347 = arith.mulf %mul3A_346, %mul3A_343 : f32
        %sub3A_348 = arith.constant 1.500000e+00 : f32
        %sub3A_349 = arith.subf %sub3A_348, %mul3A_347 : f32
        %mul3A_350 = arith.mulf %mul3A_343, %sub3A_349 : f32
        %mul3A_351 = arith.constant 5.000000e-01 : f32
        %mul3A_352 = arith.mulf %mul3A_351, %add3A_330 : f32
        %mul3A_353 = arith.mulf %mul3A_352, %mul3A_350 : f32
        %mul3A_354 = arith.mulf %mul3A_353, %mul3A_350 : f32
        %sub3A_355 = arith.constant 1.500000e+00 : f32
        %sub3A_356 = arith.subf %sub3A_355, %mul3A_354 : f32
        %mul3A_357 = arith.mulf %mul3A_350, %sub3A_356 : f32
        %sub3A_358 = vector.broadcast %mul3A_320 : f32 to vector<16xf32>
        %sub3A_359 = arith.subf %add3A_283, %sub3A_358 : vector<16xf32>
        %mul3A_360 = vector.broadcast %mul3A_357 : f32 to vector<16xf32>
        %mul3A_361 = arith.mulf %sub3A_359, %mul3A_360 : vector<16xf32>
        %mul3A_362 = arith.mulf %mul3A_361, %get3A_3 : vector<16xf32>
        %add3A_363 = arith.addf %mul3A_362, %get3A_11 : vector<16xf32>
        %swap3A_364 = arith.index_cast %add3A_276 : i32 to index
        %swap3A_365 = arith.constant 0 : index
        %swap3A_366 = tpu.vector_load %arg14[%swap3A_364, %swap3A_365] {strides = array<i32>} : memref<256x64xf32, #tpu.memory_space<vmem>>, vector<16xf32>,
        tpu.vector_store %arg14[%swap3A_364, %swap3A_365], %add3A_363 {strides = array<i32>} : memref<256x64xf32, #tpu.memory_space<vmem>>, vector<16xf32>,
        %sub3A_367 = vector.broadcast %mul3A_320 : f32 to vector<16xf32>
        %sub3A_368 = arith.subf %add3A_290, %sub3A_367 : vector<16xf32>
        %mul3A_369 = vector.broadcast %mul3A_357 : f32 to vector<16xf32>
        %mul3A_370 = arith.mulf %sub3A_368, %mul3A_369 : vector<16xf32>
        %mul3A_371 = arith.mulf %mul3A_370, %get3A_5 : vector<16xf32>
        %add3A_372 = arith.addf %mul3A_371, %get3A_13 : vector<16xf32>
        %swap3A_373 = arith.index_cast %add3A_276 : i32 to index
        %swap3A_374 = arith.constant 16 : index
        %swap3A_375 = tpu.vector_load %arg14[%swap3A_373, %swap3A_374] {strides = array<i32>} : memref<256x64xf32, #tpu.memory_space<vmem>>, vector<16xf32>,
        tpu.vector_store %arg14[%swap3A_373, %swap3A_374], %add3A_372 {strides = array<i32>} : memref<256x64xf32, #tpu.memory_space<vmem>>, vector<16xf32>,
        %sub3A_376 = vector.broadcast %mul3A_320 : f32 to vector<16xf32>
        %sub3A_377 = arith.subf %add3A_297, %sub3A_376 : vector<16xf32>
        %mul3A_378 = vector.broadcast %mul3A_357 : f32 to vector<16xf32>
        %mul3A_379 = arith.mulf %sub3A_377, %mul3A_378 : vector<16xf32>
        %mul3A_380 = arith.mulf %mul3A_379, %get3A_7 : vector<16xf32>
        %add3A_381 = arith.addf %mul3A_380, %get3A_15 : vector<16xf32>
        %swap3A_382 = arith.index_cast %add3A_276 : i32 to index
        %swap3A_383 = arith.constant 32 : index
        %swap3A_384 = tpu.vector_load %arg14[%swap3A_382, %swap3A_383] {strides = array<i32>} : memref<256x64xf32, #tpu.memory_space<vmem>>, vector<16xf32>,
        tpu.vector_store %arg14[%swap3A_382, %swap3A_383], %add3A_381 {strides = array<i32>} : memref<256x64xf32, #tpu.memory_space<vmem>>, vector<16xf32>,
        %sub3A_385 = vector.broadcast %mul3A_320 : f32 to vector<16xf32>
        %sub3A_386 = arith.subf %add3A_304, %sub3A_385 : vector<16xf32>
        %mul3A_387 = vector.broadcast %mul3A_357 : f32 to vector<16xf32>
        %mul3A_388 = arith.mulf %sub3A_386, %mul3A_387 : vector<16xf32>
        %mul3A_389 = arith.mulf %mul3A_388, %get3A_9 : vector<16xf32>
        %add3A_390 = arith.addf %mul3A_389, %get3A_17 : vector<16xf32>
        %swap3A_391 = arith.index_cast %add3A_276 : i32 to index
        %swap3A_392 = arith.constant 48 : index
        %swap3A_393 = tpu.vector_load %arg14[%swap3A_391, %swap3A_392] {strides = array<i32>} : memref<256x64xf32, #tpu.memory_space<vmem>>, vector<16xf32>,
        tpu.vector_store %arg14[%swap3A_391, %swap3A_392], %add3A_390 {strides = array<i32>} : memref<256x64xf32, #tpu.memory_space<vmem>>, vector<16xf32>,
      }
      %scan3A_151 = arith.constant 128 : i32
      %dma_start3A_152 = arith.constant 0 : i32
      %dma_start3A_153 = tpu.memref_slice %arg8[%add3A_68, %dma_start3A_152] : memref<819200x64xf32, #tpu.memory_space<hbm>> -> memref<256x64xf32, #tpu.memory_space<hbm>>
      %dma_start3A_154 = arith.constant 0 : i32
      %dma_start3A_155 = tpu.memref_slice %arg8[%add3A_68, %dma_start3A_154] : memref<819200x64xf32, #tpu.memory_space<hbm>> -> memref<256x64xf32, #tpu.memory_space<hbm>>
      tpu.enqueue_dma source(%arg14 : memref<256x64xf32, #tpu.memory_space<vmem>>) target(%dma_start3A_155 : memref<256x64xf32, #tpu.memory_space<hbm>>) target_semaphore(%arg24 : memref<!tpu.dma_semaphore, #tpu.memory_space<semaphore_mem>>)
    }
    %scan3A_53 = arith.constant 50 : i32
    %dma_wait3A = arith.constant 0 : i32
    %dma_wait3A_54 = tpu.memref_slice %arg8[%mul3A_2, %dma_wait3A] : memref<819200x64xf32, #tpu.memory_space<hbm>> -> memref<256x64xf32, #tpu.memory_space<hbm>>
    %dma_wait3A_55 = arith.constant 0 : i32
    %dma_wait3A_56 = tpu.memref_slice %arg8[%mul3A_2, %dma_wait3A_55] : memref<819200x64xf32, #tpu.memory_space<hbm>> -> memref<256x64xf32, #tpu.memory_space<hbm>>
    tpu.wait_dma2 semaphore(%arg23 : memref<!tpu.dma_semaphore, #tpu.memory_space<semaphore_mem>>) src(%arg13 : memref<256x64xf32, #tpu.memory_space<vmem>>) dst(%dma_wait3A_56 : memref<256x64xf32, #tpu.memory_space<hbm>>)
    %dma_wait3A_57 = arith.constant 0 : i32
    %dma_wait3A_58 = tpu.memref_slice %arg8[%mul3A_2, %dma_wait3A_57] : memref<819200x64xf32, #tpu.memory_space<hbm>> -> memref<256x64xf32, #tpu.memory_space<hbm>>
    %dma_wait3A_59 = arith.constant 0 : i32
    %dma_wait3A_60 = tpu.memref_slice %arg8[%mul3A_2, %dma_wait3A_59] : memref<819200x64xf32, #tpu.memory_space<hbm>> -> memref<256x64xf32, #tpu.memory_space<hbm>>
    tpu.wait_dma2 semaphore(%arg24 : memref<!tpu.dma_semaphore, #tpu.memory_space<semaphore_mem>>) src(%arg14 : memref<256x64xf32, #tpu.memory_space<vmem>>) dst(%dma_wait3A_60 : memref<256x64xf32, #tpu.memory_space<hbm>>)
    return
  }
}

</mosaic_0001>

<sc_bundles>
// kernel: kernel.3.cloned.1.call-start
scs
__scs_entry_jumppad:
0x0: {  	(pc) =	sbr.rel $0x88, $3  }
0x1: {  	(tag) =	ssettag $0x0;
	lr =	simm.s32 $0x1  }
0x2: {  	[smem:$0x3F99] =	sst lr;
	_ =	strace $0xD0000000  }
0x3: {  	_ = 	snop  }
0x4: {  	_ = 	snop  }
0x5: {  	_ = 	snop  }
0x6: {  	_ = 	snop  }
0x7: {  	_ = 	snop  }
__scs_overlays_trampoline_lowered:
0x8: {  	[smem:$0x3FA8] =	sst s0  }
0x9: {  	[smem:$0x3FA9] =	sst s1  }
0xa: {  	[smem:$0x3FAA] =	sst s2  }
0xb: {  	[smem:$0x3FAB] =	sst s3  }
0xc: {  	[smem:$0x3FAC] =	sst s4  }
0xd: {  	[smem:$0x3FAD] =	sst s5  }
0xe: {  	[smem:$0x3FAE] =	sst s6  }
0xf: {  	[smem:$0x3FAF] =	sst s7  }
0x10: {  	[smem:$0x3FB0] =	sst s8  }
0x11: {  	[smem:$0x3FB1] =	sst s9;
	s0 =	simm.s32 @!p0 $0x0  }
0x12: {  	s1 =	sld [smem:$0x3F97];
	s0 =	simm.s32 @p0 $0x1  }
0x13: {  	[smem:$0x3FB2] =	sst s0;
	s0 =	simm.s32 @!p1 $0x0  }
0x14: {  	s2 =	sld [smem:$0x3F96];
	s0 =	simm.s32 @p1 $0x1  }
0x15: {  	[smem:$0x3FB3] =	sst s0;
	s0 =	simm.s32 @!p2 $0x0  }
0x16: {  	s3 =	sld [smem:$0x3FDB];
	s0 =	simm.s32 @p2 $0x1  }
0x17: {  	s4 =	simm.s32 $0x1BF5;
	[smem:$0x3FB5] =	sst s0  }
0x18: {  	s0 =	sld [smem:$0x3F98];
	_ =	swait.ge [sflag:s4], $0x0  }
0x19: {  	s7 =	sld [smem:$0x3F99]  }
0x1a: {  	s8 =	sadd.s32 $0xFFFFE003, lr  }
0x1b: {  	s9 =	sadd.s32 $0xFFFFFEF7, lr;
	s5 =	simm.s32 $0xFFFFFFFF;
	p2 =	slt.u32 s8, $0xFFFFF086  }
0x1c: {  	p1 =	slt.u32 s9, $0xF7A;
	s5 =	simm.s32 @!p2 $0x0  }
0x1d: {  	s5 =	simm.s32 @p1 $0x1;
	p0 =	seq.s32 s7, s2  }
0x1e: {  	s7 =	smul.u32 @!p0 $0xF7A, s2;
	p2 =	seq.s32 @!p0 s5, $0x0  }
0x1f: {  	s9 =	smul.u32 $0xF7A, s1;
	s8 =	simm.s32 @!p0 $0x1BF5;
	p2 =	por !p2, p0  }
0x20: {  	[sflag:s8] =	ssyncset.s32 @!p0 $0xFFFFF086;
	s6 =	sadd.s32 @!p0 s3, s7;
	s7 =	simm.s32 @!p0 $0x108  }
0x21: {  	s3 =	sadd.s32 s3, s9;
	s6 =	sadd.s32 @!p0 $0x88, s6;
	s7 =	simm.s32 @p2 $0x1082  }
0x22: {  	[simem:s7], [sflag:s8] =	dma.local @!p0 [hbm:s6], $0xF7A  }
0x23: {  	s9 =	sor.u32 $0xD0000000, s2;
	s6 =	simm.s32 $0x108;
	_ =	swait.ge @!p0 [sflag:s8], $0x0  }
0x24: {  	s3 =	sadd.s32 $0x88, s3;
	s6 =	simm.s32 @!p1 $0x1082;
	[sflag:s4] =	ssyncset.s32 $0xFFFFF086  }
0x25: {  	[simem:s6], [sflag:s4] =	dma.local [hbm:s3], $0xF7A  }
0x26: {  	[smem:$0x3F99] =	sst s1;
	(tag) =	ssettag s2;
	_ =	strace s9  }
0x27: {  	s1 =	sld [smem:$0x3FA9]  }
0x28: {  	s2 =	sld [smem:$0x3FAA]  }
0x29: {  	s4 =	sld [smem:$0x3FAC]  }
0x2a: {  	p0 =	seq.s32 s5, $0x0;
	s5 =	sld [smem:$0x3FAD]  }
0x2b: {  	s6 =	sld [smem:$0x3FAE]  }
0x2c: {  	s7 =	sld [smem:$0x3FAF]  }
0x2d: {  	s3 =	simm.s32 $0x108;
	s8 =	sld [smem:$0x3FB0]  }
0x2e: {  	s3 =	simm.s32 @!p0 $0x1082;
	s9 =	sld [smem:$0x3FB1]  }
0x2f: {  	lr =	sadd.s32 s0, s3;
	s0 =	sld [smem:$0x3FA8]  }
0x30: {  	s3 =	sld [smem:$0x3FAB]  }
0x31: {  	[smem:$0x3FB4] =	sst s10  }
0x32: {  	s10 =	sld [smem:$0x3FB2];
	_ =	sdelay $0x3  }
0x33: {  	p0 =	seq.s32 s10, $0x1;
	s10 =	sld [smem:$0x3FB4];
	_ =	sdelay $0x3  }
0x34: {  	[smem:$0x3FB4] =	sst s10  }
0x35: {  	s10 =	sld [smem:$0x3FB3];
	_ =	sdelay $0x3  }
0x36: {  	p1 =	seq.s32 s10, $0x1;
	s10 =	sld [smem:$0x3FB4];
	_ =	sdelay $0x3  }
0x37: {  	[smem:$0x3FB4] =	sst s10  }
0x38: {  	s10 =	sld [smem:$0x3FB5]  }
0x39: {  	_ = 	snop;
	(pc) =	sbr.ind lr, $3  }
0x3a: {  	_ = 	snop  }
0x3b: {  	_ = 	snop  }
0x3c: {  	p2 =	seq.s32 s10, $0x1;
	s10 =	sld [smem:$0x3FB4]  }
0x3d: {  	_ =	shalt  }
0x3e: {  	_ =	shalt  }
0x3f: {  	_ =	shalt  }
0x40: {  	_ =	shalt  }
0x41: {  	_ =	shalt  }
0x42: {  	_ =	shalt  }
0x43: {  	_ =	shalt  }
0x44: {  	_ =	shalt  }
0x45: {  	_ =	shalt  }
0x46: {  	_ =	shalt  }
0x47: {  	_ =	shalt  }
0x48: {  	_ =	shalt  }
0x49: {  	_ =	shalt  }
0x4a: {  	_ =	shalt  }
0x4b: {  	_ =	shalt  }
0x4c: {  	_ =	shalt  }
0x4d: {  	_ =	shalt  }
0x4e: {  	_ =	shalt  }
0x4f: {  	_ =	shalt  }
0x50: {  	_ =	shalt  }
0x51: {  	_ =	shalt  }
0x52: {  	_ =	shalt  }
0x53: {  	_ =	shalt  }
0x54: {  	_ =	shalt  }
0x55: {  	_ =	shalt  }
0x56: {  	_ =	shalt  }
0x57: {  	_ =	shalt  }
0x58: {  	_ =	shalt  }
0x59: {  	_ =	shalt  }
0x5a: {  	_ =	shalt  }
0x5b: {  	_ =	shalt  }
0x5c: {  	_ =	shalt  }
0x5d: {  	_ =	shalt  }
0x5e: {  	_ =	shalt  }
0x5f: {  	_ =	shalt  }
0x60: {  	_ =	shalt  }
0x61: {  	_ =	shalt  }
0x62: {  	_ =	shalt  }
0x63: {  	_ =	shalt  }
0x64: {  	_ =	shalt  }
0x65: {  	_ =	shalt  }
0x66: {  	_ =	shalt  }
0x67: {  	_ =	shalt  }
0x68: {  	_ =	shalt  }
0x69: {  	_ =	shalt  }
0x6a: {  	_ =	shalt  }
0x6b: {  	_ =	shalt  }
0x6c: {  	_ =	shalt  }
0x6d: {  	_ =	shalt  }
0x6e: {  	_ =	shalt  }
0x6f: {  	_ =	shalt  }
0x70: {  	_ =	shalt  }
0x71: {  	_ =	shalt  }
0x72: {  	_ =	shalt  }
0x73: {  	_ =	shalt  }
0x74: {  	_ =	shalt  }
0x75: {  	_ =	shalt  }
0x76: {  	_ =	shalt  }
0x77: {  	_ =	shalt  }
0x78: {  	_ =	shalt  }
0x79: {  	_ =	shalt  }
0x7a: {  	_ =	shalt  }
0x7b: {  	_ =	shalt  }
0x7c: {  	_ =	shalt  }
0x7d: {  	_ =	shalt  }
0x7e: {  	_ =	shalt  }
0x7f: {  	_ =	shalt  }
0x80: {  	_ =	shalt  }
0x81: {  	_ =	shalt  }
0x82: {  	_ =	shalt  }
0x83: {  	_ =	shalt  }
0x84: {  	_ =	shalt  }
0x85: {  	_ =	shalt  }
0x86: {  	_ =	shalt  }
0x87: {  	_ =	shalt  }
.Lfunc_end0:
.L_simem_size_0:
called_computation.1_lowered:
.L_overlay_start_0:
0x88: {  	s2 =	sld [smem:$0x3FD9]  }
0x89: {  	s3 =	sld [smem:$0x3FFE];
	_ =	sdelay $0x1  }
0x8a: {  	s1 =	srdreg.scid  }
0x8b: {  	s0 =	sand.u32 $0x1, s1  }
0x8c: {  	s17 =	sshll.u32 s0, $0xA;
	s2 =	sadd.s32 s3, s2  }
0x8d: {  	s2 =	sadd.s32 s2, s17  }
0x8e: {  	[smem:$0x3FC0] =	sst s2  }
0x8f: {  	_ = 	snop  }
0x90: {  	s2 =	sld [smem:$0x3FC3]  }
0x91: {  	s18 =	sld [smem:$0x3FC2]  }
0x92: {  	s4 =	sld [smem:$0x3FD0];
	(tm) =	ssettm $0x1  }
0x93: {  	s5 =	sld [smem:$0x3FFB];
	_ =	sdelay $0x3  }
0x94: {  	_ =	strace s5  }
0x95: {  	s5 =	sld [smem:$0x3FFC];
	_ =	sdelay $0x3  }
0x96: {  	_ =	strace s5  }
0x97: {  	s5 =	sld [smem:$0x3FFD];
	_ =	sdelay $0x3  }
0x98: {  	_ =	strace s5  }
0x99: {  	_ =	strace $0x8FFFFFFF  }
0x9a: {  	s19 =	sld [smem:$0x3FDB];
	_ =	sdelay $0x1  }
0x9b: {  	s6 =	simm.s32 $_scs_section_size  }
0x9c: {  	s7 =	simm.s32 $_size__tile_overlayer_lowered;
	s8 =	simm.s32 $_tile_overlayer_lowered  }
0x9d: {  	s22 =	simm.s32 $0x1BFF;
	s21 =	sshll.u32 s8, $0x1;
	s5 =	sadd.s32 s6, s19  }
0x9e: {  	s9 =	simm.s32 $0x0;
	s20 =	sshll.u32 s7, $0x1;
	s7 =	sadd.s32 s21, s5  }
0x9f: {  	[timem:s9], [sflag:s22] =	dma.local [hbm:s7], s20  }
0xa0: {  	_ =	swait.ge [sflag:s22], s20  }
0xa1: {  	s6 =	ssub.s32 $0x0, s20;
	[sflag:s22] =	ssyncset.done $0x0  }
0xa2: {  	[sflag:s22] =	ssyncadd.s32 s6;
	_ =	sdelay $0x1  }
0xa3: {  	s23 =	simm.s32 $0x1B8B  }
0xa4: {  	_ =	swait.ge [sflag:s23], $0x1  }
0xa5: {  	[sflag:s23] =	ssyncset.done $0x0  }
0xa6: {  	s25 =	simm.s32 $0x1B8E;
	s24 =	sld [smem:$0x3FFE];
	[sflag:s23] =	ssyncadd.s32 $0xFFFFFFFF  }
0xa7: {  	s26 =	simm.s32 $execute0_lowered;
	[smem:$0x3FD2] =	sst s25  }
0xa8: {  	s7 =	sshll.u32 s26, $0x1;
	_ =	strace $0x80000046;
	[dreg:$0x1] =	wrdreg $0xFFFFFFFF  }
0xa9: {  	s28 =	simm.s32 $_size_execute0_lowered;
	s5 =	sadd.s32 s5, s7;
	[dreg:$0x0] =	wrdreg $0x0  }
0xaa: {  	s7 =	sshll.u32 s28, $0x1;
	[dreg:$0x2] =	wrdreg s5  }
0xab: {  	[dreg:$0x3] =	wrdreg s7  }
0xac: {  	[dreg:$0x4] =	wrdreg $0xC0  }
0xad: {  	_ =	task [dreg:s9], $0x5FFFF  }
0xae: {  	[dreg:$0x1] =	wrdreg $0xFFFFFFFF  }
0xaf: {  	[dreg:$0x0] =	wrdreg $0x60  }
0xb0: {  	[dreg:$0x2] =	wrdreg s24  }
0xb1: {  	[dreg:$0x3] =	wrdreg s2  }
0xb2: {  	[dreg:$0x4] =	wrdreg s18  }
0xb3: {  	[dreg:$0x5] =	wrdreg s4  }
0xb4: {  	[dreg:$0x6] =	wrdreg $0x9  }
0xb5: {  	_ =	task.clear_ibuf [dreg:s9], $0x7FFFF;
	_ =	strace $0x90000046  }
0xb6: {  	s29 =	simm.s32 $0x9;
	_ =	strace $0x80000048  }
0xb7: {  	_ =	swait.ge [sflag:s29], $0x1  }
0xb8: {  	[sflag:s29] =	ssyncadd.s32 $0xFFFFFFFF  }
0xb9: {  	_ =	strace $0x90000048  }
0xba: {  	_ =	sfence  }
0xbb: {  	s30 =	sld [smem:$0x0];
	_ =	sdelay $0x2  }
0xbc: {  	s31 =	sshll.u32 s1, $0xD;
	s1 =	sshrl.u32 s1, $0x2  }
0xbd: {  	s3 =	sand.u32 $0x4000, s31;
	s1 =	sadd.s32 s1, s30  }
0xbe: {  	s0 =	sor.u32 s3, s0;
	s1 =	sshll.u32 s1, $0x11  }
0xbf: {  	s0 =	sor.u32 s1, s0  }
0xc0: {  	s0 =	sadd.s32 $0x8F2B, s0  }
0xc1: {  	[sflag:s0] =	ssyncadd.remote.s32 $0x1  }
0xc2: {  	_ =	sfence.sel $0xFFFF  }
0xc3: {  	[dreg:$0x0] =	wrdreg $0xFFFFFFFF;
	(pc) =	sbr.abs _section_cstart, $3  }
0xc4: {  	[dreg:$0x1] =	wrdreg $0xFFFFFFFF  }
0xc5: {  	_ =	task.clear_ibuf [dreg:s9], $0x2FFFF;
	_ =	strace $0x9FFFFFFF  }
0xc6: {  	(tm) =	ssettm $0x7FFFFFFF  }
0xc7: {  	_ =	shalt  }
tec
execute0_lowered:
.L_overlay_start_1:
0x0: {  	(tag) =	ssettag $0x1  }
0x1: {  	s0 =	rddreg [dreg:$0x0]  }
0x2: {  	s1 =	srdreg.scid;
	s2 =	stileid.u32;
	s3 =	simm.s32 $0x0  }
0x3: {  	s1 =	sand.u32 $0x1, s1;
	s2 =	sshll.u32 s2, $0x1;
	[smem:$0x7FF] =	sst s3  }
0x4: {  	s4 =	sadd.s32 $0x1A200, s0;
	s5 =	sadd.s32 $0x1200, s0;
	s9 =	sadd.s32 $0xF43600, s0  }
0x5: {  	s2 =	sor.u32 s1, s2;
	_ =	strace $0x80000047;
	s1 =	ssub.s32 $0x2, s1  }
0x6: {  	[dreg:$0x5] =	wrdreg s4;
	s2 =	smul.u32 $0x6400, s2;
	s29 =	sshrl.u32 s1, $0x1  }
0x7: {  	s10 =	sadd.s32 $0x33200, s0;
	[dreg:$0x7] =	wrdreg s5;
	s0 =	ssub.s32 s1, s29  }
0x8: {  	[dreg:$0x6] =	wrdreg s2;
	s2 =	sshrl.u32 s2, $0x3;
	s0 =	smax.u32 s0, $0x1  }
0x9: {  	s30 =	sadd.s32 s4, s2;
	[dreg:$0xa] =	wrdreg s0  }
0xa: {  	s31 =	sadd.s32 s5, s2;
	[dreg:$0x8] =	wrdreg s30  }
0xb: {  	s15 =	simm.s32 $0x5;
	s2 =	simm.s32 $0x0;
	[dreg:$0x9] =	wrdreg s31  }
.LBB2_1:
0xc: {  	[dreg:$0xb] =	wrdreg s2  }
0xd: {  	s0 =	rddreg [dreg:$0x1];
	s1 =	simm.s32 $0x18400  }
0xe: {  	[tilespmem:s1], [sflag:$0x5] =	stream.linear.gather [hbm4b:s0+s3], $0x40, $0x38;
	[tilespmem:$0x18480] =	vst v63  }
0xf: {  	_ =	swait.ge [sflag:s15], $0x40  }
0x10: {  	[sflag:s15] =	ssyncset.done $0x0  }
0x11: {  	[sflag:s15] =	ssyncadd.s32 $0xFFFFFFC0  }
0x12: {  	s20 =	simm.s32 $0x18440;
	s19 =	rddreg [dreg:$0x2]  }
0x13: {  	[tilespmem:s20], [sflag:$0x5] =	stream.linear.gather [hbm4b:s19+s3], $0x40, $0x38;
	[tilespmem:$0x18480] =	vst v63  }
0x14: {  	_ =	swait.ge [sflag:s15], $0x40  }
0x15: {  	[sflag:s15] =	ssyncset.done $0x0  }
0x16: {  	[sflag:s15] =	ssyncadd.s32 $0xFFFFFFC0  }
0x17: {  	v0 =	vld [tilespmem:$0x18400]  }
0x18: {  	v1 =	vld [tilespmem:$0x18410]  }
0x19: {  	v2 =	vld [tilespmem:$0x18420]  }
0x1a: {  	v3 =	vld [tilespmem:$0x18430]  }
0x1b: {  	v4 =	vld [tilespmem:$0x18440]  }
0x1c: {  	v5 =	vld [tilespmem:$0x18450]  }
0x1d: {  	s22 =	simm.s32 $0x18000;
	s21 =	rddreg [dreg:$0x8];
	v6 =	vld [tilespmem:$0x18460]  }
0x1e: {  	v7 =	vld [tilespmem:$0x18470];
	[tilespmem:s22], [sflag:$0x5] =	stream.linear.gather [hbm4b:s21+s3], $0x100, $0x38  }
0x1f: {  	_ =	swait.ge [sflag:s15], $0x100  }
0x20: {  	[sflag:s15] =	ssyncset.done $0x0  }
0x21: {  	s24 =	simm.s32 $0x18200;
	s23 =	rddreg [dreg:$0x9];
	[sflag:s15] =	ssyncadd.s32 $0xFFFFFF00  }
0x22: {  	[tilespmem:s24], [sflag:$0x5] =	stream.linear.gather [hbm4b:s23+s3], $0x100, $0x38;
	[tilespmem:$0x18480] =	vst v63  }
0x23: {  	_ =	swait.ge [sflag:s15], $0x100  }
0x24: {  	[sflag:s15] =	ssyncset.done $0x0  }
0x25: {  	s25 =	simm.s32 $0x80;
	[sflag:s15] =	ssyncadd.s32 $0xFFFFFF00  }
0x26: {  	[tilespmem:s3], [sflag:$0x1] =	stream.indirect.gather [hbm4b:s9+s25], $0x40, s22, s25, $0xb8;
	[tilespmem:$0x18480] =	vst v63  }
0x27: {  	s26 =	simm.s32 $0x8000  }
0x28: {  	[tilespmem:s26], [sflag:$0x1] =	stream.indirect.gather [hbm4b:s10+s25], $0x40, s24, s25, $0xb8;
	[tilespmem:$0x18480] =	vst v63  }
0x29: {  	s28 =	simm.s32 $0x18080;
	s29 =	simm.s32 $0x2000  }
0x2a: {  	[tilespmem:s29], [sflag:$0x1] =	stream.indirect.gather [hbm4b:s9+s25], $0x40, s28, s25, $0xb8;
	[tilespmem:$0x18480] =	vst v63  }
0x2b: {  	s30 =	simm.s32 $0x18280;
	s31 =	simm.s32 $0xA000;
	s23 =	simm.s32 $0x0  }
0x2c: {  	[tilespmem:s31], [sflag:$0x1] =	stream.indirect.gather [hbm4b:s10+s25], $0x40, s30, s25, $0xb8;
	[tilespmem:$0x18480] =	vst v63  }
.LBB2_2:
0x2d: {  	s0 =	sshll.u32 s23, $0x9;
	s1 =	rddreg [dreg:$0x6]  }
0x2e: {  	s17 =	sadd.s32 s1, s0  }
0x2f: {  	s24 =	sor.u32 $0x100, s17  }
0x30: {  	s4 =	rddreg [dreg:$0x5];
	s26 =	sshrl.u32 s24, $0x3  }
0x31: {  	s2 =	sadd.s32 s4, s26;
	s4 =	simm.s32 $0x18100  }
0x32: {  	[tilespmem:s4], [sflag:$0x5] =	stream.linear.gather [hbm4b:s2+s3], $0x100, $0x38;
	[tilespmem:$0x18480] =	vst v63  }
0x33: {  	_ =	swait.ge [sflag:s15], $0x100  }
0x34: {  	[sflag:s15] =	ssyncset.done $0x0;
	s5 =	rddreg [dreg:$0x7]  }
0x35: {  	s6 =	simm.s32 $0x18300;
	[sflag:s15] =	ssyncadd.s32 $0xFFFFFF00;
	s0 =	sadd.s32 s5, s26  }
0x36: {  	[tilespmem:s6], [sflag:$0x5] =	stream.linear.gather [hbm4b:s0+s3], $0x100, $0x38;
	[tilespmem:$0x18480] =	vst v63  }
0x37: {  	_ =	swait.ge [sflag:s15], $0x100  }
0x38: {  	[sflag:s15] =	ssyncset.done $0x0  }
0x39: {  	s7 =	simm.s32 $0x80;
	s8 =	simm.s32 $0x4000;
	[sflag:s15] =	ssyncadd.s32 $0xFFFFFF00  }
0x3a: {  	[tilespmem:s8], [sflag:$0x2] =	stream.indirect.gather [hbm4b:s9+s7], $0x40, s4, s7, $0xb8;
	[tilespmem:$0x18480] =	vst v63  }
0x3b: {  	s11 =	simm.s32 $0xC000  }
0x3c: {  	[tilespmem:s11], [sflag:$0x2] =	stream.indirect.gather [hbm4b:s10+s7], $0x40, s6, s7, $0xb8;
	[tilespmem:$0x18480] =	vst v63  }
0x3d: {  	s12 =	simm.s32 $0x18180;
	s13 =	simm.s32 $0x6000  }
0x3e: {  	[tilespmem:s13], [sflag:$0x2] =	stream.indirect.gather [hbm4b:s9+s7], $0x40, s12, s7, $0xb8;
	[tilespmem:$0x18480] =	vst v63  }
0x3f: {  	s14 =	simm.s32 $0x18380;
	s16 =	simm.s32 $0xE000;
	s18 =	simm.s32 $0x1  }
0x40: {  	[tilespmem:s16], [sflag:$0x2] =	stream.indirect.gather [hbm4b:s10+s7], $0x40, s14, s7, $0xb8;
	[tilespmem:$0x18480] =	vst v63  }
0x41: {  	_ =	swait.ge [sflag:s18], $0x4000  }
0x42: {  	[sflag:s18] =	ssyncset.done $0x0  }
0x43: {  	[sflag:s18] =	ssyncadd.s32 $0xFFFFC000  }
0x44: {  	_ =	swait.ge [sflag:s18], $0x4000  }
0x45: {  	p0 =	seq.s32 s23, $0x0;
	[sflag:s18] =	ssyncset.done $0x0  }
0x46: {  	s0 =	simm.s32 @!p0 $0x3;
	[sflag:s18] =	ssyncadd.s32 $0xFFFFC000  }
0x47: {  	_ =	swait.ge @!p0 [sflag:s0], $0x4000  }
0x48: {  	[sflag:s0] =	ssyncset.done @!p0 $0x0  }
0x49: {  	s11 =	simm.s32 $0x0;
	[sflag:s0] =	ssyncadd.s32 @!p0 $0xFFFFC000  }
0x4a: {  	v8 =	vld [tilespmem:s11+$0x40]  }
0x4b: {  	v9 =	vld [tilespmem:s11+$0x8040]  }
0x4c: {  	v11 =	vld [tilespmem:s11+$0x50]  }
0x4d: {  	v12 =	vld [tilespmem:s11+$0x8050]  }
0x4e: {  	v13 =	vld [tilespmem:s11+$0x60]  }
0x4f: {  	v14 =	vld [tilespmem:s11+$0x8060]  }
0x50: {  	v15 =	vld [tilespmem:s11+$0x70]  }
0x51: {  	v16 =	vld [tilespmem:s11+$0x8070];
	_ =	sdelay $0x3  }
0x52: {  	v10 =	vadd.f32 v9, v8;
	v9 =	vadd.f32 v12, v11  }
0x53: {  	v8 =	vadd.f32 v14, v13;
	v11 =	vadd.f32 v16, v15  }
0x54: {  	v12 =	vmul.f32 v10, v10;
	v13 =	vmul.f32 v9, v9  }
0x55: {  	v14 =	vmul.f32 v8, v8;
	v15 =	vmul.f32 v11, v11  }
0x56: {  	v16 =	vadd.f32 v9, v10;
	v17 =	vadd.f32 v11, v8  }
0x57: {  	v18 =	vld [tilespmem:s11+$0x8020];
	v12 =	vadd.f32 v13, v12;
	v13 =	vadd.f32 v15, v14  }
0x58: {  	v19 =	vld [tilespmem:s11+$0x30];
	v15 =	vadd.f32 v17, v16  }
0x59: {  	v14 =	vld [tilespmem:s11+$0x0];
	v12 =	vadd.f32 v13, v12  }
0x5a: {  	v16 =	vld [tilespmem:s11+$0x8000];
	(xrf2) =	vadd.scan.msk.f32 $0xffff, v15  }
0x5b: {  	v17 =	vld [tilespmem:s11+$0x20];
	(xrf2) =	vadd.scan.msk.f32 $0xffff, v12  }
0x5c: {  	v13 =	vld [tilespmem:s11+$0x10]  }
0x5d: {  	v15 =	vld [tilespmem:s11+$0x8010]  }
0x5e: {  	s18 =	simm.s32 $0x80;
	v20 =	vld [tilespmem:s11+$0x8030]  }
0x5f: {  	v21 =	vld [tilespmem:s18+$0x40]  }
0x60: {  	v22 =	vld [tilespmem:s18+$0x8040]  }
0x61: {  	v23 =	vld [tilespmem:s18+$0x50];
	v14 =	vadd.f32 v16, v14  }
0x62: {  	v24 =	vld [tilespmem:s18+$0x8060];
	v12 =	vadd.f32 v15, v13;
	v13 =	vadd.f32 v18, v17  }
0x63: {  	v29 =	vld [tilespmem:s18+$0x8070];
	v15 =	vadd.f32 v20, v19;
	v19 =	vmul.f32 v14, v14  }
0x64: {  	v16 =	vld [tilespmem:s18+$0x8050];
	v20 =	vmul.f32 v12, v12;
	v25 =	vmul.f32 v13, v13;
	v17, _, _ =	vpop (xrf2)  }
0x65: {  	v18 =	vld [tilespmem:s18+$0x60];
	v26 =	vmul.f32 v15, v15;
	v27 =	vadd.f32 v12, v14;
	(v2sf) =	vpush v17, $0xF;
	v17, _, _ =	vpop (xrf2)  }
0x66: {  	v28 =	vadd.f32 v15, v13;
	(v2sf) =	vpush v17, $0xF;
	v17 =	vld [tilespmem:s18+$0x70]  }
0x67: {  	v19 =	vadd.f32 v20, v19;
	v20 =	vadd.f32 v26, v25  }
0x68: {  	v25 =	vadd.f32 v28, v27  }
0x69: {  	v19 =	vadd.f32 v20, v19  }
0x6a: {  	v22 =	vadd.f32 v22, v21;
	(xrf2) =	vadd.scan.msk.f32 $0xffff, v25;
	v20 =	vadd.f32 v16, v23  }
0x6b: {  	(xrf2) =	vadd.scan.msk.f32 $0xffff, v19;
	v19 =	vadd.f32 v24, v18;
	v23 =	vadd.f32 v29, v17  }
0x6c: {  	v30 =	vld [tilespmem:s18+$0x20];
	v24 =	vmul.f32 v22, v22  }
0x6d: {  	v26 =	vld [tilespmem:s18+$0x10];
	v25 =	vmul.f32 v20, v20;
	v17 =	vadd.f32 v20, v22;
	v21 =	vadd.f32 v23, v19  }
0x6e: {  	v16 =	vld [tilespmem:s18+$0x0];
	v27 =	vmul.f32 v19, v19;
	v28 =	vmul.f32 v23, v23  }
0x6f: {  	v18 =	vld [tilespmem:s18+$0x8000];
	v17 =	vadd.f32 v21, v17  }
0x70: {  	v29 =	vld [tilespmem:s18+$0x8010];
	v21 =	vadd.f32 v25, v24;
	v24 =	vadd.f32 v28, v27  }
0x71: {  	v25 =	vld [tilespmem:s18+$0x8020]  }
0x72: {  	v27 =	vld [tilespmem:s18+$0x30];
	(xrf2) =	vadd.scan.msk.f32 $0xffff, v17;
	v17 =	vadd.f32 v24, v21  }
0x73: {  	v24 =	vld [tilespmem:s18+$0x8030];
	_ =	sdelay $0x1  }
0x74: {  	s19 =	spop (v2sf);
	v21, _, _ =	vpop (xrf2)  }
0x75: {  	(xrf2) =	vadd.scan.msk.f32 $0xffff, v17;
	s0 =	smul.f32 $1.562500000e-02, s19;
	(v2sf) =	vpush v21, $0xF;
	v21 =	vadd.f32 v18, v16;
	s20 =	spop (v2sf);
	v17, _, _ =	vpop (xrf2)  }
0x76: {  	v18 =	vadd.f32 v25, v30;
	s2 =	smul.f32 $1.562500000e-02, s20;
	(v2sf) =	vpush v17, $0xF  }
0x77: {  	s21 =	smul.f32 s0, s0;
	v17 =	vadd.f32 v29, v26;
	v16 =	vadd.f32 v24, v27  }
0x78: {  	v24 =	vmul.f32 v21, v21;
	v27 =	vmul.f32 v18, v18  }
0x79: {  	s2 =	ssub.f32 s2, s21;
	v26 =	vmul.f32 v17, v17;
	v28 =	vadd.f32 v16, v18;
	v29 =	vmul.f32 v16, v16  }
0x7a: {  	s12 =	simm.s32 $0x100;
	v25 =	vadd.f32 v17, v21  }
0x7b: {  	v31 =	vld [tilespmem:s12+$0x8070];
	s2 =	sadd.f32 $9.999999960e-13, s2;
	v24 =	vadd.f32 v26, v24;
	v26 =	vadd.f32 v29, v27  }
0x7c: {  	v32 =	vld [tilespmem:s12+$0x0]  }
0x7d: {  	v36 =	vld [tilespmem:s12+$0x8000];
	v25 =	vadd.f32 v28, v25;
	v28, _, _ =	vpop (xrf2);
	s22 =	sshra.s32 s2, $0x1;
	s2 =	smul.f32 $5.000000000e-01, s2  }
0x7e: {  	v37 =	vld [tilespmem:s12+$0x10];
	(v2sf) =	vpush v28, $0xF;
	s3 =	ssub.s32 $0x5F3759DF, s22  }
0x7f: {  	v30 =	vld [tilespmem:s12+$0x70];
	v24 =	vadd.f32 v26, v24;
	(xrf2) =	vadd.scan.msk.f32 $0xffff, v25;
	v26, _, _ =	vpop (xrf2);
	s25 =	smul.f32 s3, s2  }
0x80: {  	v27 =	vld [tilespmem:s12+$0x40];
	(v2sf) =	vpush v26, $0xF  }
0x81: {  	v29 =	vld [tilespmem:s12+$0x8040];
	(xrf2) =	vadd.scan.msk.f32 $0xffff, v24;
	s4 =	smul.f32 s3, s25  }
0x82: {  	v25 =	vld [tilespmem:s12+$0x50]  }
0x83: {  	v28 =	vld [tilespmem:s12+$0x8050];
	s4 =	ssub.f32 $1.500000000e+00, s4  }
0x84: {  	v24 =	vld [tilespmem:s12+$0x60]  }
0x85: {  	v26 =	vld [tilespmem:s12+$0x8060];
	s3 =	smul.f32 s3, s4  }
0x86: {  	v38 =	vld [tilespmem:s12+$0x8010]  }
0x87: {  	s4 =	smul.f32 s3, s2  }
0x88: {  	v39 =	vadd.f32 v36, v32;
	v35 =	vadd.f32 v31, v30;
	v31 =	vld [tilespmem:s12+$0x8030]  }
0x89: {  	v34 =	vadd.f32 v29, v27;
	v29 =	vadd.f32 v28, v25;
	v25 =	vld [tilespmem:s12+$0x20];
	s6 =	spop (v2sf);
	v33, _, _ =	vpop (xrf2);
	s4 =	smul.f32 s4, s3  }
0x8a: {  	v28 =	vld [tilespmem:s12+$0x30];
	s21 =	smul.f32 $1.562500000e-02, s6;
	s26 =	spop (v2sf);
	(v2sf) =	vpush v33, $0xF;
	v33 =	vadd.f32 v26, v24  }
0x8b: {  	v37 =	vadd.f32 v38, v37;
	v42 =	vmul.f32 v35, v35;
	v30 =	vmul.f32 v29, v29;
	s6 =	smul.f32 $1.562500000e-02, s26;
	v24 =	vld [tilespmem:s12+$0x8020];
	v26, _, _ =	vpop (xrf2);
	s4 =	ssub.f32 $1.500000000e+00, s4  }
0x8c: {  	s7 =	smul.f32 s21, s21;
	(v2sf) =	vpush v26, $0xF;
	v26 =	vmul.f32 v34, v34;
	v41 =	vmul.f32 v33, v33  }
0x8d: {  	v27 =	vadd.f32 v29, v34;
	v40 =	vadd.f32 v35, v33;
	s13 =	spop (v2sf);
	s3 =	smul.f32 s4, s3  }
0x8e: {  	v26 =	vadd.f32 v30, v26;
	v30 =	vadd.f32 v42, v41;
	s4 =	smul.f32 $1.562500000e-02, s13  }
0x8f: {  	v36 =	vadd.f32 v31, v28;
	v27 =	vadd.f32 v40, v27;
	s1 =	spop (v2sf);
	s2 =	smul.f32 s3, s2  }
0x90: {  	s6 =	ssub.f32 s6, s7;
	v38 =	vadd.f32 v24, v25;
	v24 =	vadd.f32 v30, v26;
	s13 =	smul.f32 $1.562500000e-02, s1  }
0x91: {  	v25 =	vmul.f32 v39, v39;
	(xrf2) =	vadd.scan.msk.f32 $0xffff, v27;
	v27 =	vmul.f32 v37, v37;
	s5 =	smul.f32 s4, s4  }
0x92: {  	s6 =	sadd.f32 $9.999999960e-13, s6;
	v30 =	vmul.f32 v36, v36;
	v28 =	vmul.f32 v38, v38;
	(xrf2) =	vadd.scan.msk.f32 $0xffff, v24;
	s2 =	smul.f32 s2, s3  }
0x93: {  	v26 =	vadd.f32 v37, v39;
	v24 =	vadd.f32 v36, v38;
	s7 =	ssub.f32 s13, s5  }
0x94: {  	v25 =	vadd.f32 v27, v25;
	v27 =	vadd.f32 v30, v28;
	s2 =	ssub.f32 $1.500000000e+00, s2  }
0x95: {  	s28 =	smul.f32 $5.000000000e-01, s6;
	v24 =	vadd.f32 v24, v26;
	v26 =	vmov s0;
	s13 =	simm.s32 $0x180;
	s14 =	sadd.f32 $9.999999960e-13, s7  }
0x96: {  	s16 =	sshra.s32 s6, $0x1;
	v11 =	vsub.f32 v11, v26;
	v28 =	vld [tilespmem:s13+$0x40];
	v25 =	vadd.f32 v27, v25;
	s8 =	smul.f32 s2, s3  }
0x97: {  	s19 =	ssub.s32 $0x5F3759DF, s16;
	v27 =	vld [tilespmem:s13+$0x50];
	(xrf2) =	vadd.scan.msk.f32 $0xffff, v24;
	s7 =	sshra.s32 s14, $0x1;
	s3 =	smul.f32 $5.000000000e-01, s14  }
0x98: {  	s22 =	smul.f32 s19, s28;
	v10 =	vsub.f32 v10, v26;
	v30 =	vld [tilespmem:s13+$0x8050];
	(xrf2) =	vadd.scan.msk.f32 $0xffff, v25;
	v11 =	vmul.f32 s8, v11;
	s7 =	ssub.s32 $0x5F3759DF, s7  }
0x99: {  	v9 =	vsub.f32 v9, v26;
	v31 =	vld [tilespmem:s13+$0x8060];
	v8 =	vsub.f32 v8, v26;
	s16 =	smul.f32 s7, s3  }
0x9a: {  	s20 =	smul.f32 s19, s22;
	v26 =	vld [tilespmem:s13+$0x70];
	v10 =	vmul.f32 s8, v10;
	v11 =	vmul.f32 v11, v3  }
0x9b: {  	v24 =	vld [tilespmem:s13+$0x8040];
	s25 =	spop (v2sf);
	v9 =	vmul.f32 s8, v9;
	v8 =	vmul.f32 s8, v8;
	v50, _, _ =	vpop (xrf2);
	s16 =	smul.f32 s7, s16  }
0x9c: {  	v25 =	vld [tilespmem:s13+$0x60];
	s2 =	smul.f32 $1.562500000e-02, s25;
	(v2sf) =	vpush v50, $0xF;
	v10 =	vmul.f32 v10, v0;
	s22 =	spop (v2sf);
	v51, _, _ =	vpop (xrf2);
	v11 =	vadd.f32 v11, v7  }
0x9d: {  	v52 =	vld [tilespmem:s13+$0x8070];
	v9 =	vmul.f32 v9, v1;
	s1 =	smul.f32 $1.562500000e-02, s22;
	(v2sf) =	vpush v51, $0xF;
	s26 =	ssub.f32 $1.500000000e+00, s16  }
0x9e: {  	v8 =	vmul.f32 v8, v2;
	s8 =	smul.f32 s2, s2;
	v10 =	vadd.f32 v10, v4;
	[tilespmem:s11+$0x10070] =	vst v11  }
0x9f: {  	v9 =	vadd.f32 v9, v5;
	v53 =	vld [tilespmem:s13+$0x0];
	s5 =	smul.f32 s7, s26  }
0xa0: {  	v55 =	vadd.f32 v8, v6;
	v8 =	vadd.f32 v30, v27;
	v54 =	vld [tilespmem:s13+$0x8000];
	[tilespmem:s11+$0x10040] =	vst v10  }
0xa1: {  	s14 =	ssub.f32 s1, s8;
	v10 =	vadd.f32 v31, v25;
	v11, _, _ =	vpop (xrf2);
	v43 =	vld [tilespmem:s13+$0x10];
	[tilespmem:s11+$0x10050] =	vst v9;
	v9 =	vadd.f32 v24, v28;
	s25 =	smul.f32 s5, s3  }
0xa2: {  	s7 =	ssub.f32 $1.500000000e+00, s20;
	(v2sf) =	vpush v11, $0xF;
	v24 =	vld [tilespmem:s13+$0x8010];
	v11 =	vadd.f32 v52, v26;
	v25, _, _ =	vpop (xrf2);
	[tilespmem:s11+$0x10060] =	vst v55  }
0xa3: {  	v30 =	vmul.f32 v8, v8;
	s0 =	sadd.f32 $9.999999960e-13, s14;
	(v2sf) =	vpush v25, $0xF;
	v25 =	vld [tilespmem:s13+$0x20];
	s16 =	smul.f32 s25, s5  }
0xa4: {  	s7 =	smul.f32 s19, s7;
	v56 =	vmul.f32 v10, v10;
	v26 =	vadd.f32 v8, v9;
	v31 =	vld [tilespmem:s13+$0x8020];
	v27 =	vadd.f32 v11, v10  }
0xa5: {  	s26 =	sshra.s32 s0, $0x1;
	s0 =	smul.f32 $5.000000000e-01, s0;
	v28 =	vmul.f32 v9, v9;
	v44 =	vld [tilespmem:s13+$0x30];
	v57 =	vmul.f32 v11, v11;
	s6 =	ssub.f32 $1.500000000e+00, s16  }
0xa6: {  	s19 =	smul.f32 s7, s28;
	v26 =	vadd.f32 v27, v26;
	v27 =	vld [tilespmem:s13+$0x8030]  }
0xa7: {  	s25 =	ssub.s32 $0x5F3759DF, s26;
	v28 =	vadd.f32 v30, v28;
	v30 =	vadd.f32 v57, v56;
	s6 =	smul.f32 s6, s5  }
0xa8: {  	s20 =	smul.f32 s25, s0  }
0xa9: {  	(xrf2) =	vadd.scan.msk.f32 $0xffff, v26;
	v26 =	vadd.f32 v30, v28;
	s3 =	smul.f32 s6, s3  }
0xaa: {  	v42 =	vadd.f32 v54, v53;
	s1 =	smul.f32 s25, s20;
	v43 =	vadd.f32 v24, v43  }
0xab: {  	v40 =	vadd.f32 v31, v25;
	s5 =	spop (v2sf);
	(xrf2) =	vadd.scan.msk.f32 $0xffff, v26;
	v41 =	vadd.f32 v27, v44;
	s26 =	smul.f32 s3, s6  }
0xac: {  	s3 =	smul.f32 $1.562500000e-02, s5;
	s8 =	spop (v2sf)  }
0xad: {  	v28 =	vmov s4;
	v25 =	vadd.f32 v43, v42;
	s29 =	smul.f32 $1.562500000e-02, s8;
	v30 =	vadd.f32 v41, v40;
	s26 =	ssub.f32 $1.500000000e+00, s26  }
0xae: {  	v24 =	vmul.f32 v42, v42;
	v23 =	vsub.f32 v23, v28;
	v26 =	vmul.f32 v43, v43;
	s30 =	smul.f32 s3, s3  }
0xaf: {  	s20 =	simm.s32 $0x200;
	s14 =	ssub.f32 $1.500000000e+00, s1;
	v27 =	vmul.f32 v40, v40;
	v31 =	vmul.f32 v41, v41;
	v25 =	vadd.f32 v30, v25;
	s6 =	smul.f32 s26, s6  }
0xb0: {  	s16 =	smul.f32 s19, s7;
	v58 =	vld [tilespmem:s20+$0x40];
	v22 =	vsub.f32 v22, v28;
	s19 =	ssub.f32 s29, s30  }
0xb1: {  	v59 =	vld [tilespmem:s20+$0x60];
	v24 =	vadd.f32 v26, v24;
	v27 =	vadd.f32 v31, v27;
	s29 =	smul.f32 s25, s14;
	(xrf2) =	vadd.scan.msk.f32 $0xffff, v25;
	v23 =	vmul.f32 s6, v23  }
0xb2: {  	v45 =	vld [tilespmem:s20+$0x8060];
	v20 =	vsub.f32 v20, v28;
	v19 =	vsub.f32 v19, v28;
	s26 =	spop (v2sf);
	s22 =	sadd.f32 $9.999999960e-13, s19  }
0xb3: {  	v28 =	vld [tilespmem:s20+$0x8070];
	v24 =	vadd.f32 v27, v24;
	s4 =	smul.f32 $1.562500000e-02, s26;
	v22 =	vmul.f32 s6, v22;
	v23 =	vmul.f32 v23, v3  }
0xb4: {  	v26 =	vld [tilespmem:s20+$0x8040];
	s1 =	spop (v2sf);
	v20 =	vmul.f32 s6, v20;
	v25, _, _ =	vpop (xrf2);
	s5 =	sshra.s32 s22, $0x1;
	s30 =	smul.f32 $5.000000000e-01, s22  }
0xb5: {  	v30 =	vld [tilespmem:s20+$0x50];
	(xrf2) =	vadd.scan.msk.f32 $0xffff, v24;
	s8 =	smul.f32 $1.562500000e-02, s1;
	(v2sf) =	vpush v25, $0xF;
	v25, _, _ =	vpop (xrf2);
	v22 =	vmul.f32 v22, v0;
	s14 =	ssub.s32 $0x5F3759DF, s5;
	v23 =	vadd.f32 v23, v7  }
0xb6: {  	v31 =	vld [tilespmem:s20+$0x8050];
	(v2sf) =	vpush v25, $0xF;
	s26 =	smul.f32 s14, s30  }
0xb7: {  	v19 =	vmul.f32 s6, v19;
	v24 =	vld [tilespmem:s20+$0x70];
	s31 =	smul.f32 s4, s4;
	v20 =	vmul.f32 v20, v1;
	v22 =	vadd.f32 v22, v4;
	[tilespmem:s18+$0x10070] =	vst v23  }
0xb8: {  	s16 =	ssub.f32 $1.500000000e+00, s16;
	s26 =	smul.f32 s14, s26;
	v23 =	vld [tilespmem:s20+$0x0]  }
0xb9: {  	v19 =	vmul.f32 v19, v2;
	s22 =	ssub.f32 s8, s31;
	s31 =	smul.f32 s29, s0;
	v25 =	vadd.f32 v20, v5;
	v46 =	vld [tilespmem:s20+$0x8000];
	[tilespmem:s18+$0x10040] =	vst v22;
	v22 =	vmov s21  }
0xba: {  	s16 =	smul.f32 s16, s7;
	s19 =	ssub.f32 $1.500000000e+00, s26;
	v20 =	vsub.f32 v14, v22  }
0xbb: {  	s1 =	sadd.f32 $9.999999960e-13, s22;
	s26 =	smul.f32 s31, s29;
	v47 =	vld [tilespmem:s20+$0x10];
	v14 =	vadd.f32 v19, v6;
	[tilespmem:s18+$0x10050] =	vst v25;
	v25 =	vsub.f32 v12, v22;
	v12, _, _ =	vpop (xrf2)  }
0xbc: {  	v19 =	vadd.f32 v28, v24;
	s6 =	smul.f32 s14, s19;
	(v2sf) =	vpush v12, $0xF  }
0xbd: {  	s5 =	sshra.s32 s1, $0x1;
	s22 =	smul.f32 $5.000000000e-01, s1;
	v48 =	vld [tilespmem:s20+$0x8010];
	v12 =	vadd.f32 v26, v58;
	[tilespmem:s18+$0x10060] =	vst v14;
	v14 =	vadd.f32 v31, v30  }
0xbe: {  	v27 =	vsub.f32 v13, v22;
	v13 =	vadd.f32 v45, v59;
	s21 =	ssub.s32 $0x5F3759DF, s5;
	v61 =	vmul.f32 v19, v19;
	s8 =	smul.f32 s6, s30  }
0xbf: {  	v32 =	vsub.f32 v15, v22;
	s14 =	smul.f32 s21, s22;
	v26 =	vld [tilespmem:s20+$0x20];
	v30, _, _ =	vpop (xrf2);
	v22 =	vmul.f32 v12, v12;
	v28 =	vmul.f32 v14, v14  }
0xc0: {  	v24 =	vld [tilespmem:s20+$0x8020];
	(v2sf) =	vpush v30, $0xF;
	v31 =	vadd.f32 v14, v12;
	v30 =	vmul.f32 v13, v13;
	s25 =	smul.f32 s8, s6  }
0xc1: {  	s31 =	smul.f32 s16, s28;
	s7 =	ssub.f32 $1.500000000e+00, s26;
	v15 =	vld [tilespmem:s20+$0x30];
	v22 =	vadd.f32 v28, v22;
	v28 =	vadd.f32 v19, v13  }
0xc2: {  	v60 =	vld [tilespmem:s20+$0x8030];
	s26 =	smul.f32 s21, s14;
	v45 =	vadd.f32 v61, v30;
	s25 =	ssub.f32 $1.500000000e+00, s25  }
0xc3: {  	s29 =	smul.f32 s7, s29;
	v30 =	vadd.f32 v46, v23;
	v23 =	vadd.f32 v28, v31  }
0xc4: {  	v45 =	vadd.f32 v45, v22;
	s19 =	spop (v2sf);
	s6 =	smul.f32 s25, s6  }
0xc5: {  	v49 =	vmov s2;
	s28 =	smul.f32 $1.562500000e-02, s19;
	s25 =	spop (v2sf);
	(xrf2) =	vadd.scan.msk.f32 $0xffff, v23  }
0xc6: {  	v21 =	vsub.f32 v21, v49;
	v28 =	vadd.f32 v48, v47;
	s2 =	smul.f32 $1.562500000e-02, s25;
	(xrf2) =	vadd.scan.msk.f32 $0xffff, v45  }
0xc7: {  	v31 =	vadd.f32 v24, v26;
	v26 =	vadd.f32 v60, v15;
	s1 =	smul.f32 s6, s30  }
0xc8: {  	v52 =	vmov s3;
	v22 =	vsub.f32 v18, v49;
	v62 =	vmul.f32 v30, v30;
	s8 =	smul.f32 s28, s28  }
0xc9: {  	s5 =	ssub.f32 $1.500000000e+00, s26;
	v18 =	vadd.f32 v28, v30;
	v44 =	vadd.f32 v26, v31;
	v63 =	vmul.f32 v28, v28;
	s7 =	smul.f32 s1, s6  }
0xca: {  	v35 =	vsub.f32 v35, v52;
	v53 =	vmul.f32 v31, v31;
	v54 =	vmul.f32 v26, v26;
	s2 =	ssub.f32 s2, s8  }
0xcb: {  	v34 =	vsub.f32 v34, v52;
	s26 =	smul.f32 s31, s16;
	v44 =	vadd.f32 v44, v18;
	s7 =	ssub.f32 $1.500000000e+00, s7  }
0xcc: {  	s30 =	smul.f32 s21, s5;
	v55 =	vadd.f32 v63, v62;
	v56 =	vadd.f32 v54, v53;
	s2 =	sadd.f32 $9.999999960e-13, s2  }
0xcd: {  	v29 =	vsub.f32 v29, v52;
	v23 =	vsub.f32 v17, v49;
	v17 =	vmov s4;
	s21 =	simm.s32 $0x280;
	(xrf2) =	vadd.scan.msk.f32 $0xffff, v44;
	s19 =	spop (v2sf);
	s14 =	smul.f32 s7, s6  }
0xce: {  	v15 =	vsub.f32 v39, v17;
	v39 =	vld [tilespmem:s21+$0x40];
	v57 =	vadd.f32 v56, v55;
	s25 =	smul.f32 $1.562500000e-02, s19  }
0xcf: {  	v24 =	vsub.f32 v16, v49;
	v16 =	vsub.f32 v37, v17;
	v37 =	vld [tilespmem:s21+$0x8040];
	s5 =	sshra.s32 s2, $0x1;
	s31 =	smul.f32 $5.000000000e-01, s2;
	s1 =	spop (v2sf);
	v35 =	vmul.f32 s14, v35;
	v58, _, _ =	vpop (xrf2)  }
0xd0: {  	v33 =	vsub.f32 v33, v52;
	v18 =	vsub.f32 v38, v17;
	v45 =	vld [tilespmem:s21+$0x8050];
	s4 =	ssub.s32 $0x5F3759DF, s5;
	s8 =	smul.f32 $1.562500000e-02, s1;
	v60, _, _ =	vpop (xrf2);
	(xrf2) =	vadd.scan.msk.f32 $0xffff, v57  }
0xd1: {  	v46 =	vld [tilespmem:s21+$0x60];
	v34 =	vmul.f32 s14, v34;
	s7 =	smul.f32 s4, s31;
	(v2sf) =	vpush v58, $0xF;
	v35 =	vmul.f32 v35, v3  }
0xd2: {  	v48 =	vld [tilespmem:s21+$0x8060];
	v59 =	vmov s25;
	v29 =	vmul.f32 s14, v29;
	s6 =	smul.f32 s25, s25;
	v33 =	vmul.f32 s14, v33  }
0xd3: {  	s26 =	ssub.f32 $1.500000000e+00, s26;
	v49 =	vld [tilespmem:s21+$0x70];
	s14 =	smul.f32 s30, s22;
	(v2sf) =	vpush v60, $0xF;
	v61 =	vmul.f32 v34, v0;
	v51 =	vadd.f32 v35, v7  }
0xd4: {  	v17 =	vsub.f32 v36, v17;
	v44 =	vld [tilespmem:s21+$0x50];
	v34 =	vsub.f32 v43, v59;
	s19 =	smul.f32 s4, s7;
	v62 =	vmul.f32 v29, v1  }
0xd5: {  	v50 =	vld [tilespmem:s21+$0x8070];
	s2 =	smul.f32 s26, s16;
	s8 =	ssub.f32 s8, s6;
	v63 =	vmul.f32 v33, v2;
	v33 =	vsub.f32 v40, v59;
	v38 =	vadd.f32 v61, v4;
	[tilespmem:s12+$0x10070] =	vst v51  }
0xd6: {  	s25 =	smul.f32 s14, s30;
	v29 =	vsub.f32 v41, v59;
	s6 =	ssub.f32 $1.500000000e+00, s19;
	v41 =	vadd.f32 v62, v5;
	v43 =	vld [tilespmem:s21+$0x0]  }
0xd7: {  	s7 =	smul.f32 s29, s0;
	s0 =	simm.s32 $0xC00;
	v35 =	vsub.f32 v42, v59;
	v40 =	vadd.f32 v63, v6;
	v42, _, _ =	vpop (xrf2);
	s16 =	sadd.f32 $9.999999960e-13, s8;
	v47 =	vld [tilespmem:s21+$0x8000];
	[tilespmem:s12+$0x10040] =	vst v38  }
.LBB2_3:
0xd8: {  	p1 =	sne.s32 s0, $0xFE00;
	v38 =	vld [tilespmem:s21+$0x10];
	(v2sf) =	vpush v42, $0xF;
	s6 =	smul.f32 s4, s6;
	s8 =	ssub.f32 $1.500000000e+00, s25;
	[tilespmem:s12+$0x10050] =	vst v41  }
0xd9: {  	v37 =	vadd.f32 v37, v39;
	v42 =	vadd.f32 v45, v44;
	s3 =	smov.u32 s29;
	v51 =	vld [tilespmem:s21+$0x8010];
	s4 =	sshra.s32 s16, $0x1;
	s16 =	smul.f32 $5.000000000e-01, s16;
	[tilespmem:s12+$0x10060] =	vst v40;
	v39 =	vmul.f32 s2, v20;
	v20 =	vmovc v21  }
0xda: {  	v40 =	vadd.f32 v48, v46;
	v45 =	vmul.f32 s2, v25;
	v44 =	vld [tilespmem:s21+$0x20];
	v41 =	vadd.f32 v50, v49;
	v21, _, _ =	vpop (xrf2);
	s4 =	ssub.s32 $0x5F3759DF, s4;
	s25 =	smul.f32 s6, s31  }
0xdb: {  	v48 =	vadd.f32 v42, v37;
	v49 =	vmul.f32 s2, v27;
	v46 =	vld [tilespmem:s21+$0x8020];
	(v2sf) =	vpush v21, $0xF;
	s26 =	smul.f32 s4, s16;
	v21 =	vmovc v15;
	v15 =	vmovc v35  }
0xdc: {  	v25 =	vmovc v23;
	v50 =	vmul.f32 v37, v37;
	v52 =	vmul.f32 v42, v42;
	v35 =	vld [tilespmem:s21+$0x30];
	v54 =	vadd.f32 v41, v40;
	s25 =	smul.f32 s25, s6  }
0xdd: {  	v23 =	vmovc v16;
	v36 =	vadd.f32 v47, v43;
	v47 =	vmul.f32 v40, v40;
	v53 =	vmul.f32 v41, v41;
	v43 =	vld [tilespmem:s21+$0x8030];
	s26 =	smul.f32 s4, s26  }
0xde: {  	v16 =	vmovc v34;
	s29 =	smul.f32 s8, s30;
	v27 =	vmovc v22;
	v38 =	vadd.f32 v51, v38;
	v48 =	vadd.f32 v54, v48;
	s25 =	ssub.f32 $1.500000000e+00, s25;
	v51 =	vmul.f32 s2, v32  }
0xdf: {  	v22 =	vmovc v18;
	v34 =	vadd.f32 v52, v50;
	v54 =	vmul.f32 v36, v36;
	v47 =	vadd.f32 v53, v47;
	s2 =	smul.f32 s7, s3;
	s8 =	ssub.f32 $1.500000000e+00, s26  }
0xe0: {  	v52 =	vadd.f32 v46, v44;
	v44 =	vadd.f32 v38, v36;
	v46 =	vmul.f32 v38, v38;
	(xrf2) =	vadd.scan.msk.f32 $0xffff, v48;
	s7 =	spop (v2sf);
	s6 =	smul.f32 s25, s6  }
0xe1: {  	v18 =	vmovc v33;
	v39 =	vmul.f32 v39, v0;
	v45 =	vmul.f32 v45, v1;
	v34 =	vadd.f32 v47, v34;
	s2 =	ssub.f32 $1.500000000e+00, s2;
	s7 =	smul.f32 $1.562500000e-02, s7  }
0xe2: {  	s25 =	spop (v2sf);
	s26 =	smul.f32 s6, s31  }
0xe3: {  	v32 =	vmovc v24;
	v43 =	vadd.f32 v43, v35;
	v33 =	vadd.f32 v46, v54;
	v35 =	vmul.f32 v52, v52;
	s25 =	smul.f32 $1.562500000e-02, s25  }
0xe4: {  	v46 =	vmul.f32 v51, v3;
	(xrf2) =	vadd.scan.msk.f32 $0xffff, v34;
	v34 =	vadd.f32 v39, v4;
	v39 =	vmul.f32 v49, v2;
	s31 =	smul.f32 s7, s7  }
0xe5: {  	v45 =	vadd.f32 v45, v5;
	v24 =	vmovc v17;
	v47 =	vadd.f32 v43, v52;
	v48 =	vmul.f32 v43, v43;
	s26 =	smul.f32 s26, s6  }
0xe6: {  	v17 =	vmov v29;
	s30 =	smul.f32 s4, s8;
	[tilespmem:s11+$0x10000] =	vst v34;
	v34 =	vadd.f32 v39, v6;
	v39 =	vadd.f32 v46, v7;
	s8 =	ssub.f32 s25, s31  }
0xe7: {  	v29 =	vadd.f32 v47, v44;
	v35 =	vadd.f32 v48, v35;
	s4 =	ssub.f32 $1.500000000e+00, s26;
	[tilespmem:s11+$0x10010] =	vst v45;
	v44 =	vmov s28;
	s28 =	smov.u32 s7  }
0xe8: {  	s7 =	sshra.s32 s0, $0x2;
	s26 =	smul.f32 s30, s16;
	s25 =	spop (v2sf);
	[tilespmem:s11+$0x10020] =	vst v34;
	v46 =	vsub.f32 v9, v44  }
0xe9: {  	v33 =	vadd.f32 v35, v33;
	(xrf2) =	vadd.scan.msk.f32 $0xffff, v29;
	s6 =	smul.f32 s4, s6;
	v29 =	vsub.f32 v11, v44;
	[tilespmem:s11+$0x10030] =	vst v39;
	v11 =	vmovc v19;
	s11 =	smov.u32 s18;
	s4 =	sadd.f32 $9.999999960e-13, s8  }
0xea: {  	v34 =	vsub.f32 v8, v44;
	v9 =	vmovc v12;
	v12 =	vmovc v37;
	v8 =	vmov v14;
	v47 =	vsub.f32 v10, v44;
	s25 =	smul.f32 $1.562500000e-02, s25;
	s18 =	smov.u32 s12;
	v39 =	vld [tilespmem:s7+$0x40]  }
0xeb: {  	v14 =	vmov v42;
	s12 =	smov.u32 s13;
	v37 =	vld [tilespmem:s7+$0x8040];
	v35, _, _ =	vpop (xrf2);
	s8 =	spop (v2sf);
	v29 =	vmul.f32 s6, v29;
	s31 =	smul.f32 $5.000000000e-01, s4;
	v49 =	vmul.f32 s6, v46  }
0xec: {  	v10 =	vmovc v13;
	s13 =	smov.u32 s20;
	v42 =	vmov s25;
	s5 =	sshra.s32 s4, $0x1;
	v50 =	vmul.f32 s6, v34;
	v47 =	vmul.f32 s6, v47;
	s6 =	smul.f32 s25, s25;
	v44 =	vld [tilespmem:s7+$0x50];
	(xrf2) =	vadd.scan.msk.f32 $0xffff, v33  }
0xed: {  	v13 =	vmovc v40;
	v19 =	vmovc v41;
	s20 =	smov.u32 s21;
	s8 =	smul.f32 $1.562500000e-02, s8;
	s4 =	ssub.s32 $0x5F3759DF, s5;
	v45 =	vld [tilespmem:s7+$0x8050];
	(v2sf) =	vpush v35, $0xF;
	v35 =	vsub.f32 v30, v42;
	v29 =	vmul.f32 v29, v3  }
0xee: {  	s21 =	smov.u32 s7;
	v34 =	vsub.f32 v28, v42;
	v33 =	vsub.f32 v31, v42;
	s5 =	smul.f32 s4, s31;
	v46 =	vld [tilespmem:s7+$0x60];
	v30, _, _ =	vpop (xrf2)  }
.Ltmp0:
0xef: {  	v51 =	vmul.f32 v49, v0;
	v48 =	vld [tilespmem:s21+$0x8060];
	(v2sf) =	vpush v30, $0xF;
	v40 =	vadd.f32 v29, v7;
	(pc) =	sbr.rel @p1 .LBB2_3-.Ltmp0, $4  }
0xf0: {  	v41 =	vmul.f32 v50, v1;
	v53 =	vmul.f32 v47, v2;
	v29 =	vsub.f32 v26, v42;
	s5 =	smul.f32 s4, s5;
	v30 =	vmovc v36;
	v49 =	vld [tilespmem:s21+$0x70]  }
0xf1: {  	s25 =	smul.f32 s26, s30;
	v28 =	vmovc v38;
	v31 =	vmov v52;
	s8 =	ssub.f32 s8, s6;
	v36 =	vadd.f32 v51, v4;
	v26 =	vmov v43;
	v50 =	vld [tilespmem:s21+$0x8070];
	[tilespmem:s12+$0x10070] =	vst v40  }
0xf2: {  	s7 =	smul.f32 s29, s22;
	s22 =	smov.u32 s16;
	v41 =	vadd.f32 v41, v5;
	s6 =	ssub.f32 $1.500000000e+00, s5;
	v40 =	vadd.f32 v53, v6;
	v43 =	vld [tilespmem:s21+$0x0]  }
0xf3: {  	s2 =	smul.f32 s2, s3;
	s0 =	sadd.s32 $0x200, s0;
	s16 =	sadd.f32 $9.999999960e-13, s8;
	v47 =	vld [tilespmem:s21+$0x8000];
	v42, _, _ =	vpop (xrf2);
	[tilespmem:s12+$0x10040] =	vst v36  }
0xf4: {  	_ = 	snop  }
0xf5: {  	v38 =	vadd.f32 v37, v39;
	v37 =	vadd.f32 v45, v44  }
0xf6: {  	s3 =	smul.f32 s4, s6;
	v36 =	vadd.f32 v48, v46;
	v39 =	vadd.f32 v50, v49  }
0xf7: {  	v60 =	vmul.f32 v38, v38;
	v45 =	vmul.f32 v37, v37  }
0xf8: {  	(v2sf) =	vpush v42, $0xF;
	s4 =	smul.f32 s3, s31;
	v48 =	vmul.f32 v36, v36;
	v49 =	vmul.f32 v39, v39  }
0xf9: {  	v59 =	vld [tilespmem:s21+$0x10];
	[tilespmem:s12+$0x10050] =	vst v41;
	s5 =	sshra.s32 s16, $0x1;
	s0 =	smul.f32 $5.000000000e-01, s16;
	v62 =	vadd.f32 v37, v38;
	v52 =	vadd.f32 v39, v36  }
0xfa: {  	v63 =	vld [tilespmem:s21+$0x8010];
	[tilespmem:s12+$0x10060] =	vst v40;
	s5 =	ssub.s32 $0x5F3759DF, s5;
	s4 =	smul.f32 s4, s3;
	v53 =	vadd.f32 v45, v60;
	v54 =	vadd.f32 v49, v48  }
0xfb: {  	v61, _, _ =	vpop (xrf2);
	v55 =	vld [tilespmem:s21+$0x20];
	s26 =	smul.f32 s5, s0;
	v41 =	vadd.f32 v52, v62  }
0xfc: {  	v56 =	vld [tilespmem:s21+$0x8020];
	(v2sf) =	vpush v61, $0xF;
	s4 =	ssub.f32 $1.500000000e+00, s4;
	v40 =	vadd.f32 v54, v53  }
0xfd: {  	v57 =	vld [tilespmem:s21+$0x30];
	s6 =	smul.f32 s5, s26;
	(xrf2) =	vadd.scan.msk.f32 $0xffff, v41  }
0xfe: {  	v58 =	vld [tilespmem:s21+$0x8030];
	s8 =	spop (v2sf);
	s3 =	smul.f32 s4, s3;
	(xrf2) =	vadd.scan.msk.f32 $0xffff, v40  }
0xff: {  	s4 =	smul.f32 $1.562500000e-02, s8;
	s1 =	spop (v2sf)  }
0x100: {  	s8 =	smul.f32 $1.562500000e-02, s1  }
0x101: {  	s14 =	ssub.f32 $1.500000000e+00, s25;
	s19 =	smul.f32 s4, s4  }
0x102: {  	s7 =	smul.f32 s7, s29;
	v43 =	vadd.f32 v47, v43;
	v42 =	vadd.f32 v56, v55;
	s6 =	ssub.f32 $1.500000000e+00, s6  }
0x103: {  	s30 =	smul.f32 s14, s30;
	v41 =	vadd.f32 v63, v59;
	v40 =	vadd.f32 v58, v57;
	s8 =	ssub.f32 s8, s19  }
0x104: {  	v59 =	vmul.f32 v43, v43;
	v63 =	vmul.f32 v42, v42;
	s26 =	smul.f32 s3, s31  }
0x105: {  	s5 =	smul.f32 s5, s6;
	v61 =	vmul.f32 v41, v41;
	v49 =	vmul.f32 v40, v40;
	s8 =	sadd.f32 $9.999999960e-13, s8  }
0x106: {  	v60 =	vadd.f32 v41, v43;
	v62 =	vadd.f32 v40, v42;
	s16 =	smul.f32 s26, s3  }
0x107: {  	v44 =	vadd.f32 v61, v59;
	v53 =	vadd.f32 v49, v63;
	s1 =	spop (v2sf);
	s14 =	sshra.s32 s8, $0x1;
	s8 =	smul.f32 $5.000000000e-01, s8;
	v52, _, _ =	vpop (xrf2)  }
0x108: {  	v45 =	vadd.f32 v62, v60;
	s6 =	smul.f32 $1.562500000e-02, s1;
	s25 =	ssub.s32 $0x5F3759DF, s14;
	(v2sf) =	vpush v52, $0xF;
	v54, _, _ =	vpop (xrf2)  }
0x109: {  	v44 =	vadd.f32 v53, v44;
	s31 =	smul.f32 s25, s8;
	(v2sf) =	vpush v54, $0xF  }
0x10a: {  	s16 =	ssub.f32 $1.500000000e+00, s16;
	(xrf2) =	vadd.scan.msk.f32 $0xffff, v45;
	s1 =	smul.f32 s6, s6  }
0x10b: {  	s26 =	spop (v2sf);
	(xrf2) =	vadd.scan.msk.f32 $0xffff, v44;
	s31 =	smul.f32 s25, s31  }
0x10c: {  	s19 =	smul.f32 $1.562500000e-02, s26  }
0x10d: {  	s26 =	smul.f32 s16, s3;
	s16 =	ssub.f32 $1.500000000e+00, s31  }
0x10e: {  	s14 =	smul.f32 s5, s0;
	s1 =	ssub.f32 s19, s1  }
0x10f: {  	s19 =	smul.f32 s25, s16  }
0x110: {  	s1 =	sadd.f32 $9.999999960e-13, s1;
	s16 =	smul.f32 s14, s5  }
0x111: {  	s25 =	smul.f32 s19, s8  }
0x112: {  	s31 =	sshra.s32 s1, $0x1;
	s3 =	smul.f32 $5.000000000e-01, s1  }
0x113: {  	s1 =	ssub.f32 $1.500000000e+00, s7;
	s7 =	ssub.s32 $0x5F3759DF, s31;
	s31 =	smul.f32 s25, s19  }
0x114: {  	v55, _, _ =	vpop (xrf2);
	s14 =	smul.f32 s7, s3  }
0x115: {  	(v2sf) =	vpush v55, $0xF;
	v56, _, _ =	vpop (xrf2);
	s25 =	smul.f32 s1, s29;
	s1 =	ssub.f32 $1.500000000e+00, s31  }
0x116: {  	s14 =	smul.f32 s7, s14;
	(v2sf) =	vpush v56, $0xF  }
0x117: {  	s1 =	smul.f32 s1, s19;
	s29 =	spop (v2sf)  }
0x118: {  	s29 =	smul.f32 $1.562500000e-02, s29;
	s19 =	spop (v2sf)  }
0x119: {  	s19 =	smul.f32 $1.562500000e-02, s19  }
0x11a: {  	s16 =	ssub.f32 $1.500000000e+00, s16;
	s31 =	smul.f32 s29, s29  }
0x11b: {  	s14 =	ssub.f32 $1.500000000e+00, s14;
	s8 =	smul.f32 s1, s8  }
0x11c: {  	s16 =	smul.f32 s16, s5;
	s5 =	ssub.f32 s19, s31  }
0x11d: {  	s8 =	smul.f32 s8, s1  }
0x11e: {  	s7 =	smul.f32 s7, s14;
	s5 =	sadd.f32 $9.999999960e-13, s5  }
0x11f: {  	s19 =	smul.f32 s30, s22;
	s8 =	ssub.f32 $1.500000000e+00, s8  }
0x120: {  	s14 =	sshra.s32 s5, $0x1;
	s31 =	smul.f32 $5.000000000e-01, s5  }
0x121: {  	v20 =	vmul.f32 s2, v20;
	s22 =	smul.f32 s8, s1;
	s1 =	ssub.s32 $0x5F3759DF, s14  }
0x122: {  	v25 =	vmul.f32 s2, v25;
	v27 =	vmul.f32 s2, v27;
	s5 =	smul.f32 s1, s31  }
0x123: {  	v32 =	vmul.f32 s2, v32;
	v20 =	vmul.f32 v20, v0;
	s2 =	smul.f32 s19, s30  }
0x124: {  	v25 =	vmul.f32 v25, v1;
	v27 =	vmul.f32 v27, v2;
	v57 =	vmov s28;
	s14 =	spop (v2sf);
	s5 =	smul.f32 s1, s5  }
0x125: {  	v32 =	vmul.f32 v32, v3;
	v20 =	vadd.f32 v20, v4;
	v11 =	vsub.f32 v11, v57;
	s28 =	smul.f32 $1.562500000e-02, s14;
	s19 =	spop (v2sf)  }
0x126: {  	v9 =	vsub.f32 v9, v57;
	v8 =	vsub.f32 v8, v57;
	v58 =	vmov s6;
	s6 =	smul.f32 $1.562500000e-02, s19;
	s5 =	ssub.f32 $1.500000000e+00, s5  }
0x127: {  	v25 =	vadd.f32 v25, v5;
	v44 =	vsub.f32 v10, v57;
	v11 =	vmul.f32 s26, v11;
	s2 =	ssub.f32 $1.500000000e+00, s2;
	s8 =	smul.f32 s28, s28  }
0x128: {  	v27 =	vadd.f32 v27, v6;
	v59 =	vmul.f32 s26, v9;
	v60 =	vmul.f32 s26, v8;
	s1 =	smul.f32 s1, s5  }
0x129: {  	v9 =	vsub.f32 v28, v58;
	v28 =	vmul.f32 s26, v44;
	v11 =	vmul.f32 v11, v3;
	s26 =	smul.f32 s2, s30  }
0x12a: {  	v10 =	vsub.f32 v30, v58;
	v8 =	vsub.f32 v31, v58;
	v30 =	vmul.f32 v59, v0;
	s5 =	ssub.f32 s6, s8;
	s14 =	smul.f32 s1, s31  }
0x12b: {  	v31 =	vadd.f32 v11, v7;
	v11 =	vsub.f32 v26, v58;
	v26 =	vmul.f32 v28, v2;
	s19 =	smul.f32 s7, s3  }
0x12c: {  	v32 =	vadd.f32 v32, v7;
	v61 =	vmul.f32 v60, v1;
	v28 =	vadd.f32 v30, v4;
	s8 =	smul.f32 s14, s1;
	s14 =	sadd.f32 $9.999999960e-13, s5  }
0x12d: {  	[tilespmem:s11+$0x10000] =	vst v20;
	v20 =	vadd.f32 v26, v6;
	v21 =	vmul.f32 s25, v21;
	v23 =	vmul.f32 s25, v23;
	s5 =	smul.f32 s19, s7  }
0x12e: {  	[tilespmem:s11+$0x10010] =	vst v25;
	v26 =	vmov s4;
	v22 =	vmul.f32 s25, v22;
	v24 =	vmul.f32 s25, v24;
	s19 =	ssub.f32 $1.500000000e+00, s8;
	s25 =	sshra.s32 s14, $0x1;
	s2 =	smul.f32 $5.000000000e-01, s14  }
0x12f: {  	[tilespmem:s11+$0x10020] =	vst v27;
	v30 =	vadd.f32 v61, v5;
	v19 =	vsub.f32 v19, v26;
	s14 =	ssub.s32 $0x5F3759DF, s25;
	s25 =	smul.f32 s16, s0  }
0x130: {  	[tilespmem:s11+$0x10030] =	vst v32;
	v12 =	vsub.f32 v12, v26;
	v21 =	vmul.f32 v21, v0;
	v23 =	vmul.f32 v23, v1;
	s5 =	ssub.f32 $1.500000000e+00, s5;
	s1 =	smul.f32 s19, s1  }
0x131: {  	[tilespmem:s13+$0x10070] =	vst v31;
	v14 =	vsub.f32 v14, v26;
	v13 =	vsub.f32 v13, v26;
	v22 =	vmul.f32 v22, v2;
	s19 =	smul.f32 s14, s2  }
0x132: {  	[tilespmem:s13+$0x10040] =	vst v28;
	v24 =	vmul.f32 v24, v3;
	v21 =	vadd.f32 v21, v4;
	v23 =	vadd.f32 v23, v5;
	s0 =	smul.f32 s5, s7  }
0x133: {  	[tilespmem:s13+$0x10050] =	vst v30;
	v22 =	vadd.f32 v22, v6;
	v19 =	vmul.f32 s22, v19;
	v12 =	vmul.f32 s22, v12;
	s6 =	smul.f32 s14, s19  }
0x134: {  	[tilespmem:s13+$0x10060] =	vst v20;
	v24 =	vadd.f32 v24, v7;
	v14 =	vmul.f32 s22, v14;
	v13 =	vmul.f32 s22, v13;
	s11 =	smul.f32 s1, s31  }
0x135: {  	[tilespmem:s18+$0x10020] =	vst v22;
	v22 =	vmov s29;
	v19 =	vmul.f32 v19, v3;
	v12 =	vmul.f32 v12, v0;
	s3 =	smul.f32 s0, s3;
	s5 =	ssub.f32 $1.500000000e+00, s6  }
0x136: {  	v14 =	vmul.f32 v14, v1;
	v13 =	vmul.f32 v13, v2;
	v25 =	vmov s28;
	s6 =	smul.f32 s11, s1  }
0x137: {  	v19 =	vadd.f32 v19, v7;
	v12 =	vadd.f32 v12, v4;
	v15 =	vmul.f32 s26, v15;
	s4 =	smul.f32 s14, s5  }
0x138: {  	[tilespmem:s18+$0x10000] =	vst v21;
	v14 =	vadd.f32 v14, v5;
	v13 =	vadd.f32 v13, v6;
	v16 =	vmul.f32 s26, v16;
	s14 =	smul.f32 s25, s16;
	s6 =	ssub.f32 $1.500000000e+00, s6  }
0x139: {  	[tilespmem:s18+$0x10010] =	vst v23;
	v18 =	vmul.f32 s26, v18;
	v17 =	vmul.f32 s26, v17;
	v26 =	vsub.f32 v43, v25;
	s19 =	smul.f32 s4, s2  }
0x13a: {  	[tilespmem:s18+$0x10030] =	vst v24;
	v20 =	vsub.f32 v41, v25;
	v27 =	vsub.f32 v42, v25;
	v15 =	vmul.f32 v15, v0;
	s1 =	smul.f32 s6, s1  }
0x13b: {  	v21 =	vsub.f32 v40, v25;
	[tilespmem:s20+$0x10070] =	vst v19;
	v16 =	vmul.f32 v16, v1;
	v19 =	vsub.f32 v39, v22;
	s22 =	smul.f32 s19, s4  }
0x13c: {  	[tilespmem:s20+$0x10040] =	vst v12;
	v12 =	vadd.f32 v15, v4;
	v15 =	vmul.f32 v18, v2;
	v18 =	vsub.f32 v38, v22;
	s5 =	ssub.f32 $1.500000000e+00, s14  }
0x13d: {  	[tilespmem:s20+$0x10050] =	vst v14;
	v14 =	vmul.f32 v17, v3;
	v17 =	vsub.f32 v37, v22;
	s3 =	smul.f32 s3, s0;
	v19 =	vmul.f32 s1, v19;
	s6 =	ssub.f32 $1.500000000e+00, s22  }
0x13e: {  	[tilespmem:s20+$0x10060] =	vst v13;
	v13 =	vadd.f32 v16, v5;
	v16 =	vsub.f32 v36, v22;
	s5 =	smul.f32 s5, s16;
	v18 =	vmul.f32 s1, v18  }
0x13f: {  	[tilespmem:s12+$0x10000] =	vst v12;
	v12 =	vadd.f32 v15, v6;
	v15 =	vmul.f32 s1, v17;
	v17 =	vmul.f32 v19, v3;
	s4 =	smul.f32 s6, s4  }
0x140: {  	v14 =	vadd.f32 v14, v7;
	[tilespmem:s12+$0x10010] =	vst v13;
	s25 =	ssub.f32 $1.500000000e+00, s3;
	v13 =	vmul.f32 s1, v16;
	v16 =	vmul.f32 v18, v0  }
0x141: {  	[tilespmem:s12+$0x10020] =	vst v12;
	v15 =	vmul.f32 v15, v1;
	v12 =	vadd.f32 v17, v7;
	v17 =	vmul.f32 s5, v35;
	s2 =	smul.f32 s4, s2  }
0x142: {  	[tilespmem:s12+$0x10030] =	vst v14;
	s0 =	smul.f32 s25, s0;
	v13 =	vmul.f32 v13, v2;
	v14 =	vadd.f32 v16, v4;
	v16 =	vmul.f32 s5, v34  }
0x143: {  	[tilespmem:s21+$0x10070] =	vst v12;
	v12 =	vadd.f32 v15, v5;
	v15 =	vmul.f32 s5, v33;
	v17 =	vmul.f32 v17, v0;
	s26 =	smul.f32 s2, s4  }
0x144: {  	v13 =	vadd.f32 v13, v6;
	[tilespmem:s21+$0x10040] =	vst v14;
	v14 =	vmul.f32 s5, v29;
	v16 =	vmul.f32 v16, v1  }
0x145: {  	v9 =	vmul.f32 s0, v9;
	[tilespmem:s21+$0x10050] =	vst v12;
	v12 =	vadd.f32 v17, v4;
	v15 =	vmul.f32 v15, v2;
	s1 =	ssub.f32 $1.500000000e+00, s26  }
0x146: {  	v10 =	vmul.f32 s0, v10;
	[tilespmem:s21+$0x10060] =	vst v13;
	v13 =	vmul.f32 v14, v3;
	v14 =	vadd.f32 v16, v5  }
0x147: {  	v8 =	vmul.f32 s0, v8;
	v9 =	vmul.f32 v9, v1;
	[tilespmem:s13+$0x10000] =	vst v12;
	v12 =	vadd.f32 v15, v6;
	s1 =	smul.f32 s1, s4  }
0x148: {  	v11 =	vmul.f32 s0, v11;
	v10 =	vmul.f32 v10, v0;
	v13 =	vadd.f32 v13, v7;
	[tilespmem:s13+$0x10010] =	vst v14  }
0x149: {  	v8 =	vmul.f32 v8, v2;
	v9 =	vadd.f32 v9, v5;
	[tilespmem:s13+$0x10020] =	vst v12;
	v12 =	vmul.f32 s1, v26  }
0x14a: {  	v11 =	vmul.f32 v11, v3;
	v10 =	vadd.f32 v10, v4;
	[tilespmem:s13+$0x10030] =	vst v13;
	v13 =	vmul.f32 s1, v20  }
0x14b: {  	v8 =	vadd.f32 v8, v6;
	[tilespmem:s20+$0x10010] =	vst v9;
	v9 =	vmul.f32 s1, v21;
	v12 =	vmul.f32 v12, v0  }
0x14c: {  	v11 =	vadd.f32 v11, v7;
	[tilespmem:s20+$0x10000] =	vst v10;
	v10 =	vmul.f32 s1, v27;
	v13 =	vmul.f32 v13, v1  }
0x14d: {  	[tilespmem:s20+$0x10020] =	vst v8;
	v9 =	vmul.f32 v9, v3;
	v8 =	vadd.f32 v12, v4  }
0x14e: {  	[tilespmem:s20+$0x10030] =	vst v11;
	v10 =	vmul.f32 v10, v2;
	v11 =	vadd.f32 v13, v5  }
0x14f: {  	v9 =	vadd.f32 v9, v7;
	[tilespmem:s21+$0x10000] =	vst v8  }
0x150: {  	v8 =	vadd.f32 v10, v6;
	[tilespmem:s21+$0x10010] =	vst v11  }
0x151: {  	p1 =	seq.s32 s23, $0x31;
	s3 =	rddreg [dreg:$0x3];
	s2 =	sshll.u32 s17, $0x3;
	[tilespmem:s21+$0x10030] =	vst v9  }
0x152: {  	s5 =	simm.s32 $0x10000;
	s0 =	sadd.s32 s3, s2;
	s4 =	simm.s32 $0x0;
	[tilespmem:s21+$0x10020] =	vst v8  }
0x153: {  	[hbm4b:s0+s4] =	stream.linear.scatter [tilespmem:s5], [sflag:$0x3], $0x4000, $0x38;
	[tilespmem:$0x18480] =	vst v63  }
0x154: {  	s0 =	sshrl.u32 @!p1 s17, $0x3  }
0x155: {  	s1 =	rddreg [dreg:$0x5];
	s0 =	sadd.s32 @!p1 $0x40, s0  }
0x156: {  	s2 =	simm.s32 @!p1 $0x0;
	s3 =	simm.s32 @!p1 $0x18000;
	s1 =	sadd.s32 @!p1 s1, s0  }
0x157: {  	[tilespmem:s3], [sflag:$0x5] =	stream.linear.gather @!p1 [hbm4b:s1+s2], $0x100, $0x38;
	[tilespmem:$0x18480] =	vst v63  }
0x158: {  	s1 =	simm.s32 @!p1 $0x5  }
0x159: {  	_ =	swait.ge @!p1 [sflag:s1], $0x100  }
0x15a: {  	[sflag:s1] =	ssyncset.done @!p1 $0x0;
	s4 =	rddreg [dreg:$0x7]  }
0x15b: {  	[sflag:s1] =	ssyncadd.s32 @!p1 $0xFFFFFF00;
	s0 =	sadd.s32 @!p1 s4, s0;
	s4 =	simm.s32 @!p1 $0x18200  }
0x15c: {  	[tilespmem:s4], [sflag:$0x5] =	stream.linear.gather @!p1 [hbm4b:s0+s2], $0x100, $0x38;
	[tilespmem:$0x18480] =	vst v63  }
0x15d: {  	_ =	swait.ge @!p1 [sflag:s1], $0x100  }
0x15e: {  	[sflag:s1] =	ssyncset.done @!p1 $0x0  }
0x15f: {  	s0 =	simm.s32 @!p1 $0x80;
	[sflag:s1] =	ssyncadd.s32 @!p1 $0xFFFFFF00  }
0x160: {  	[tilespmem:s2], [sflag:$0x1] =	stream.indirect.gather @!p1 [hbm4b:s9+s0], $0x40, s3, s0, $0xb8;
	[tilespmem:$0x18480] =	vst v63  }
0x161: {  	s1 =	simm.s32 @!p1 $0x8000  }
0x162: {  	[tilespmem:s1], [sflag:$0x1] =	stream.indirect.gather @!p1 [hbm4b:s10+s0], $0x40, s4, s0, $0xb8;
	[tilespmem:$0x18480] =	vst v63  }
0x163: {  	s2 =	simm.s32 @!p1 $0x2000;
	s1 =	simm.s32 @!p1 $0x18080  }
0x164: {  	[tilespmem:s2], [sflag:$0x1] =	stream.indirect.gather @!p1 [hbm4b:s9+s0], $0x40, s1, s0, $0xb8;
	[tilespmem:$0x18480] =	vst v63  }
0x165: {  	s6 =	simm.s32 $0x2;
	s1 =	simm.s32 @!p1 $0x18280;
	s2 =	simm.s32 @!p1 $0xA000  }
0x166: {  	[tilespmem:s2], [sflag:$0x1] =	stream.indirect.gather @!p1 [hbm4b:s10+s0], $0x40, s1, s0, $0xb8;
	[tilespmem:$0x18480] =	vst v63  }
0x167: {  	_ =	swait.ge [sflag:s6], $0x4000  }
0x168: {  	[sflag:s6] =	ssyncset.done $0x0  }
0x169: {  	[sflag:s6] =	ssyncadd.s32 $0xFFFFC000  }
0x16a: {  	_ =	swait.ge [sflag:s6], $0x4000  }
0x16b: {  	[sflag:s6] =	ssyncset.done $0x0  }
0x16c: {  	s0 =	simm.s32 @!p0 $0x4;
	[sflag:s6] =	ssyncadd.s32 $0xFFFFC000  }
0x16d: {  	_ =	swait.ge @!p0 [sflag:s0], $0x4000  }
0x16e: {  	[sflag:s0] =	ssyncset.done @!p0 $0x0  }
0x16f: {  	s11 =	simm.s32 $0x0;
	[sflag:s0] =	ssyncadd.s32 @!p0 $0xFFFFC000  }
0x170: {  	v8 =	vld [tilespmem:s11+$0x4040]  }
0x171: {  	v9 =	vld [tilespmem:s11+$0xC040]  }
0x172: {  	v11 =	vld [tilespmem:s11+$0x4050]  }
0x173: {  	v12 =	vld [tilespmem:s11+$0xC050]  }
0x174: {  	v13 =	vld [tilespmem:s11+$0x4060]  }
0x175: {  	v14 =	vld [tilespmem:s11+$0xC060]  }
0x176: {  	v15 =	vld [tilespmem:s11+$0x4070]  }
0x177: {  	v16 =	vld [tilespmem:s11+$0xC070];
	_ =	sdelay $0x3  }
0x178: {  	v10 =	vadd.f32 v9, v8;
	v9 =	vadd.f32 v12, v11  }
0x179: {  	v8 =	vadd.f32 v14, v13;
	v11 =	vadd.f32 v16, v15  }
0x17a: {  	v12 =	vmul.f32 v10, v10;
	v13 =	vmul.f32 v9, v9  }
0x17b: {  	v14 =	vmul.f32 v8, v8;
	v15 =	vmul.f32 v11, v11  }
0x17c: {  	v16 =	vadd.f32 v9, v10;
	v17 =	vadd.f32 v11, v8  }
0x17d: {  	v18 =	vld [tilespmem:s11+$0x4030];
	v12 =	vadd.f32 v13, v12;
	v13 =	vadd.f32 v15, v14  }
0x17e: {  	v19 =	vld [tilespmem:s11+$0xC030];
	v15 =	vadd.f32 v17, v16  }
0x17f: {  	v14 =	vld [tilespmem:s11+$0x4000];
	v12 =	vadd.f32 v13, v12  }
0x180: {  	v16 =	vld [tilespmem:s11+$0xC000];
	(xrf2) =	vadd.scan.msk.f32 $0xffff, v15  }
0x181: {  	v17 =	vld [tilespmem:s11+$0xC020];
	(xrf2) =	vadd.scan.msk.f32 $0xffff, v12  }
0x182: {  	v13 =	vld [tilespmem:s11+$0x4010]  }
0x183: {  	v15 =	vld [tilespmem:s11+$0xC010]  }
0x184: {  	s17 =	simm.s32 $0x80;
	v12 =	vld [tilespmem:s11+$0x4020]  }
0x185: {  	v20 =	vld [tilespmem:s17+$0x4040]  }
0x186: {  	v21 =	vld [tilespmem:s17+$0xC040]  }
0x187: {  	v23 =	vld [tilespmem:s17+$0x4050]  }
0x188: {  	v24 =	vld [tilespmem:s17+$0xC060];
	v16 =	vadd.f32 v16, v14;
	v13 =	vadd.f32 v15, v13  }
0x189: {  	v29 =	vld [tilespmem:s17+$0xC070];
	v14 =	vadd.f32 v17, v12;
	v12 =	vadd.f32 v19, v18  }
0x18a: {  	v15 =	vld [tilespmem:s17+$0xC050];
	v19 =	vmul.f32 v16, v16;
	v22 =	vmul.f32 v13, v13;
	v27 =	vadd.f32 v13, v16;
	v17, _, _ =	vpop (xrf2)  }
0x18b: {  	v18 =	vld [tilespmem:s17+$0x4060];
	v25 =	vmul.f32 v14, v14;
	v26 =	vmul.f32 v12, v12;
	(v2sf) =	vpush v17, $0xF;
	v17, _, _ =	vpop (xrf2)  }
0x18c: {  	v28 =	vadd.f32 v12, v14;
	(v2sf) =	vpush v17, $0xF;
	v17 =	vld [tilespmem:s17+$0x4070]  }
0x18d: {  	v19 =	vadd.f32 v22, v19;
	v22 =	vadd.f32 v26, v25;
	_ =	sdelay $0x1  }
0x18e: {  	v25 =	vadd.f32 v28, v27;
	v19 =	vadd.f32 v22, v19  }
0x18f: {  	v22 =	vadd.f32 v21, v20;
	v21 =	vadd.f32 v15, v23  }
0x190: {  	(xrf2) =	vadd.scan.msk.f32 $0xffff, v25;
	v20 =	vadd.f32 v24, v18;
	v23 =	vadd.f32 v29, v17  }
0x191: {  	v30 =	vld [tilespmem:s17+$0x4020];
	(xrf2) =	vadd.scan.msk.f32 $0xffff, v19;
	v24 =	vmul.f32 v22, v22  }
0x192: {  	v26 =	vld [tilespmem:s17+$0x4010];
	v25 =	vmul.f32 v21, v21;
	v17 =	vadd.f32 v21, v22;
	v19 =	vadd.f32 v23, v20  }
0x193: {  	v15 =	vld [tilespmem:s17+$0x4000];
	v27 =	vmul.f32 v20, v20;
	v28 =	vmul.f32 v23, v23  }
0x194: {  	v18 =	vld [tilespmem:s17+$0xC000];
	v17 =	vadd.f32 v19, v17  }
0x195: {  	v29 =	vld [tilespmem:s17+$0xC010];
	v19 =	vadd.f32 v25, v24;
	v24 =	vadd.f32 v28, v27  }
0x196: {  	v25 =	vld [tilespmem:s17+$0xC020]  }
0x197: {  	v27 =	vld [tilespmem:s17+$0x4030];
	(xrf2) =	vadd.scan.msk.f32 $0xffff, v17;
	v17 =	vadd.f32 v24, v19  }
0x198: {  	v24 =	vld [tilespmem:s17+$0xC030];
	_ =	sdelay $0x1  }
0x199: {  	s7 =	spop (v2sf);
	v19, _, _ =	vpop (xrf2)  }
0x19a: {  	(xrf2) =	vadd.scan.msk.f32 $0xffff, v17;
	s0 =	smul.f32 $1.562500000e-02, s7;
	(v2sf) =	vpush v19, $0xF;
	v19 =	vadd.f32 v18, v15;
	s8 =	spop (v2sf);
	v17, _, _ =	vpop (xrf2)  }
0x19b: {  	v18 =	vadd.f32 v29, v26;
	s1 =	smul.f32 $1.562500000e-02, s8;
	(v2sf) =	vpush v17, $0xF  }
0x19c: {  	s12 =	smul.f32 s0, s0;
	v17 =	vadd.f32 v25, v30;
	v15 =	vadd.f32 v24, v27  }
0x19d: {  	v24 =	vmul.f32 v19, v19;
	v26 =	vmul.f32 v18, v18  }
0x19e: {  	s1 =	ssub.f32 s1, s12;
	v27 =	vmul.f32 v17, v17;
	v28 =	vadd.f32 v15, v17;
	v29 =	vmul.f32 v15, v15  }
0x19f: {  	v25 =	vadd.f32 v18, v19  }
0x1a0: {  	v24 =	vadd.f32 v26, v24;
	s12 =	simm.s32 $0x100;
	s1 =	sadd.f32 $9.999999960e-13, s1;
	v26 =	vadd.f32 v29, v27  }
0x1a1: {  	v30 =	vld [tilespmem:s12+$0x4070]  }
0x1a2: {  	v62 =	vld [tilespmem:s12+$0xC070];
	v25 =	vadd.f32 v28, v25;
	v28, _, _ =	vpop (xrf2);
	s13 =	sshra.s32 s1, $0x1;
	s1 =	smul.f32 $5.000000000e-01, s1  }
0x1a3: {  	v63 =	vld [tilespmem:s12+$0x4000];
	(v2sf) =	vpush v28, $0xF;
	s2 =	ssub.s32 $0x5F3759DF, s13  }
0x1a4: {  	v27 =	vld [tilespmem:s12+$0x4040];
	v24 =	vadd.f32 v26, v24;
	v26, _, _ =	vpop (xrf2);
	s14 =	smul.f32 s2, s1  }
0x1a5: {  	v29 =	vld [tilespmem:s12+$0xC040];
	(xrf2) =	vadd.scan.msk.f32 $0xffff, v25;
	(v2sf) =	vpush v26, $0xF  }
0x1a6: {  	v25 =	vld [tilespmem:s12+$0x4050];
	(xrf2) =	vadd.scan.msk.f32 $0xffff, v24;
	s3 =	smul.f32 s2, s14  }
0x1a7: {  	v28 =	vld [tilespmem:s12+$0xC050]  }
0x1a8: {  	v24 =	vld [tilespmem:s12+$0x4060];
	s3 =	ssub.f32 $1.500000000e+00, s3  }
0x1a9: {  	v26 =	vld [tilespmem:s12+$0xC060]  }
0x1aa: {  	v45 =	vld [tilespmem:s12+$0xC000];
	s2 =	smul.f32 s2, s3  }
0x1ab: {  	v46 =	vld [tilespmem:s12+$0x4010]  }
0x1ac: {  	v47 =	vld [tilespmem:s12+$0xC010];
	v35 =	vadd.f32 v62, v30;
	s3 =	smul.f32 s2, s1  }
0x1ad: {  	v30 =	vld [tilespmem:s12+$0xC030];
	v33 =	vadd.f32 v29, v27;
	v31 =	vadd.f32 v28, v25  }
0x1ae: {  	v25 =	vld [tilespmem:s12+$0x4020];
	s16 =	spop (v2sf);
	v34 =	vadd.f32 v26, v24;
	s3 =	smul.f32 s3, s2  }
0x1af: {  	v50 =	vmul.f32 v35, v35;
	v28 =	vld [tilespmem:s12+$0x4030];
	s20 =	smul.f32 $1.562500000e-02, s16;
	v27 =	vadd.f32 v31, v33;
	s18 =	spop (v2sf);
	v48, _, _ =	vpop (xrf2)  }
0x1b0: {  	v24 =	vld [tilespmem:s12+$0xC020];
	v29 =	vmul.f32 v31, v31;
	s19 =	smul.f32 $1.562500000e-02, s18;
	v32 =	vadd.f32 v35, v34;
	(v2sf) =	vpush v48, $0xF;
	v26, _, _ =	vpop (xrf2);
	s3 =	ssub.f32 $1.500000000e+00, s3  }
0x1b1: {  	s21 =	smul.f32 s20, s20;
	v49 =	vmul.f32 v34, v34;
	(v2sf) =	vpush v26, $0xF;
	v26 =	vmul.f32 v33, v33  }
0x1b2: {  	v39 =	vadd.f32 v45, v63;
	v27 =	vadd.f32 v32, v27;
	s22 =	spop (v2sf);
	s2 =	smul.f32 s3, s2  }
0x1b3: {  	v26 =	vadd.f32 v29, v26;
	v29 =	vadd.f32 v50, v49;
	s4 =	smul.f32 $1.562500000e-02, s22  }
0x1b4: {  	v38 =	vadd.f32 v47, v46;
	v36 =	vadd.f32 v30, v28;
	s25 =	spop (v2sf);
	s1 =	smul.f32 s2, s1  }
0x1b5: {  	v37 =	vadd.f32 v24, v25;
	(xrf2) =	vadd.scan.msk.f32 $0xffff, v27;
	v24 =	vadd.f32 v29, v26;
	s3 =	smul.f32 $1.562500000e-02, s25  }
0x1b6: {  	v25 =	vmul.f32 v39, v39;
	v27 =	vmul.f32 v38, v38;
	s26 =	smul.f32 s4, s4  }
0x1b7: {  	s5 =	ssub.f32 s19, s21;
	v28 =	vmul.f32 v37, v37;
	v29 =	vmul.f32 v36, v36;
	(xrf2) =	vadd.scan.msk.f32 $0xffff, v24;
	s1 =	smul.f32 s1, s2  }
0x1b8: {  	v26 =	vadd.f32 v38, v39;
	v24 =	vadd.f32 v36, v37;
	s3 =	ssub.f32 s3, s26  }
0x1b9: {  	v25 =	vadd.f32 v27, v25;
	v27 =	vadd.f32 v29, v28;
	s1 =	ssub.f32 $1.500000000e+00, s1  }
0x1ba: {  	s13 =	simm.s32 $0x180;
	v24 =	vadd.f32 v24, v26;
	v26 =	vmov s0;
	s18 =	sadd.f32 $9.999999960e-13, s3  }
0x1bb: {  	v53 =	vld [tilespmem:s13+$0xC070];
	s5 =	sadd.f32 $9.999999960e-13, s5;
	v25 =	vadd.f32 v27, v25;
	v11 =	vsub.f32 v11, v26;
	s6 =	smul.f32 s1, s2  }
0x1bc: {  	v30 =	vld [tilespmem:s13+$0xC060];
	(xrf2) =	vadd.scan.msk.f32 $0xffff, v24;
	s21 =	sshra.s32 s18, $0x1;
	s3 =	smul.f32 $5.000000000e-01, s18  }
0x1bd: {  	s19 =	sshra.s32 s5, $0x1;
	s22 =	smul.f32 $5.000000000e-01, s5;
	v28 =	vld [tilespmem:s13+$0x4040];
	v10 =	vsub.f32 v10, v26;
	(xrf2) =	vadd.scan.msk.f32 $0xffff, v25;
	v11 =	vmul.f32 s6, v11;
	s26 =	ssub.s32 $0x5F3759DF, s21  }
0x1be: {  	s5 =	ssub.s32 $0x5F3759DF, s19;
	v29 =	vld [tilespmem:s13+$0xC050];
	v9 =	vsub.f32 v9, v26;
	s2 =	smul.f32 s26, s3  }
0x1bf: {  	s25 =	smul.f32 s5, s22;
	v27 =	vld [tilespmem:s13+$0x4050];
	v8 =	vsub.f32 v8, v26;
	v51, _, _ =	vpop (xrf2);
	v10 =	vmul.f32 s6, v10;
	v11 =	vmul.f32 v11, v3  }
0x1c0: {  	v24 =	vld [tilespmem:s13+$0xC040];
	s8 =	spop (v2sf);
	v9 =	vmul.f32 s6, v9;
	(v2sf) =	vpush v51, $0xF;
	s14 =	smul.f32 s26, s2  }
0x1c1: {  	v25 =	vld [tilespmem:s13+$0x4060];
	s1 =	smul.f32 s5, s25;
	v8 =	vmul.f32 s6, v8;
	v10 =	vmul.f32 v10, v0;
	s16 =	spop (v2sf);
	v52, _, _ =	vpop (xrf2);
	v11 =	vadd.f32 v11, v7  }
0x1c2: {  	v26 =	vld [tilespmem:s13+$0x4070];
	v9 =	vmul.f32 v9, v1;
	s2 =	smul.f32 $1.562500000e-02, s8;
	(v2sf) =	vpush v52, $0xF;
	s18 =	ssub.f32 $1.500000000e+00, s14  }
0x1c3: {  	v8 =	vmul.f32 v8, v2;
	s19 =	smul.f32 $1.562500000e-02, s16;
	v10 =	vadd.f32 v10, v4;
	[tilespmem:s11+$0x14070] =	vst v11  }
0x1c4: {  	v9 =	vadd.f32 v9, v5;
	v54 =	vld [tilespmem:s13+$0x4000];
	s6 =	smul.f32 s26, s18  }
0x1c5: {  	s21 =	ssub.f32 $1.500000000e+00, s1;
	v56 =	vadd.f32 v8, v6;
	v8 =	vadd.f32 v29, v27;
	s25 =	smul.f32 s2, s2;
	v55 =	vld [tilespmem:s13+$0xC000];
	[tilespmem:s11+$0x14040] =	vst v10  }
0x1c6: {  	v10 =	vadd.f32 v30, v25;
	v11, _, _ =	vpop (xrf2);
	v57 =	vld [tilespmem:s13+$0x4010];
	[tilespmem:s11+$0x14050] =	vst v9;
	v9 =	vadd.f32 v24, v28;
	s26 =	smul.f32 s6, s3  }
0x1c7: {  	s7 =	smul.f32 s5, s21;
	s8 =	ssub.f32 s19, s25;
	(v2sf) =	vpush v11, $0xF;
	v24 =	vld [tilespmem:s13+$0xC010];
	v11 =	vadd.f32 v53, v26;
	v25, _, _ =	vpop (xrf2);
	[tilespmem:s11+$0x14060] =	vst v56  }
0x1c8: {  	v29 =	vmul.f32 v8, v8;
	(v2sf) =	vpush v25, $0xF;
	v25 =	vld [tilespmem:s13+$0x4020];
	s14 =	smul.f32 s26, s6  }
0x1c9: {  	s0 =	sadd.f32 $9.999999960e-13, s8;
	v58 =	vmul.f32 v10, v10;
	v26 =	vadd.f32 v8, v9;
	v30 =	vld [tilespmem:s13+$0xC020];
	v27 =	vadd.f32 v11, v10  }
0x1ca: {  	s5 =	smul.f32 s7, s22;
	v28 =	vmul.f32 v9, v9;
	v60 =	vld [tilespmem:s13+$0x4030];
	v59 =	vmul.f32 v11, v11;
	s1 =	ssub.f32 $1.500000000e+00, s14  }
0x1cb: {  	s16 =	sshra.s32 s0, $0x1;
	s0 =	smul.f32 $5.000000000e-01, s0;
	v26 =	vadd.f32 v27, v26;
	v27 =	vld [tilespmem:s13+$0xC030]  }
0x1cc: {  	s8 =	ssub.s32 $0x5F3759DF, s16;
	v28 =	vadd.f32 v29, v28;
	v29 =	vadd.f32 v59, v58;
	s1 =	smul.f32 s1, s6  }
0x1cd: {  	s18 =	smul.f32 s8, s0  }
0x1ce: {  	(xrf2) =	vadd.scan.msk.f32 $0xffff, v26;
	v26 =	vadd.f32 v29, v28;
	s3 =	smul.f32 s1, s3  }
0x1cf: {  	v43 =	vadd.f32 v55, v54;
	v41 =	vadd.f32 v24, v57;
	s6 =	smul.f32 s8, s18  }
0x1d0: {  	s19 =	spop (v2sf);
	v42 =	vadd.f32 v30, v25;
	(xrf2) =	vadd.scan.msk.f32 $0xffff, v26;
	v40 =	vadd.f32 v27, v60;
	s21 =	smul.f32 s3, s1  }
0x1d1: {  	v24 =	vmul.f32 v43, v43;
	v25 =	vadd.f32 v41, v43;
	v26 =	vmul.f32 v41, v41;
	s3 =	smul.f32 $1.562500000e-02, s19;
	s25 =	spop (v2sf)  }
0x1d2: {  	v27 =	vmul.f32 v42, v42;
	s14 =	smul.f32 $1.562500000e-02, s25;
	v29 =	vadd.f32 v40, v42;
	v30 =	vmul.f32 v40, v40  }
0x1d3: {  	v24 =	vadd.f32 v26, v24;
	s16 =	ssub.f32 $1.500000000e+00, s21;
	s26 =	smul.f32 s3, s3  }
0x1d4: {  	s5 =	smul.f32 s5, s7;
	v28 =	vmov s4;
	s21 =	ssub.f32 $1.500000000e+00, s6;
	v25 =	vadd.f32 v29, v25;
	v27 =	vadd.f32 v30, v27  }
0x1d5: {  	s18 =	simm.s32 $0x200;
	v23 =	vsub.f32 v23, v28;
	s1 =	smul.f32 s16, s1;
	s25 =	ssub.f32 s14, s26  }
0x1d6: {  	v61 =	vld [tilespmem:s18+$0x4040];
	s28 =	smul.f32 s8, s21;
	v24 =	vadd.f32 v27, v24  }
0x1d7: {  	v22 =	vsub.f32 v22, v28;
	v62 =	vld [tilespmem:s18+$0x4060];
	s26 =	spop (v2sf);
	(xrf2) =	vadd.scan.msk.f32 $0xffff, v25;
	v23 =	vmul.f32 s1, v23;
	s6 =	sadd.f32 $9.999999960e-13, s25  }
0x1d8: {  	v21 =	vsub.f32 v21, v28;
	v63 =	vld [tilespmem:s18+$0xC060];
	v20 =	vsub.f32 v20, v28;
	s16 =	smul.f32 $1.562500000e-02, s26;
	v25, _, _ =	vpop (xrf2);
	(xrf2) =	vadd.scan.msk.f32 $0xffff, v24  }
0x1d9: {  	v52 =	vld [tilespmem:s18+$0xC070];
	s8 =	spop (v2sf);
	v22 =	vmul.f32 s1, v22;
	v23 =	vmul.f32 v23, v3;
	s14 =	sshra.s32 s6, $0x1;
	s29 =	smul.f32 $5.000000000e-01, s6  }
0x1da: {  	v26 =	vld [tilespmem:s18+$0xC040];
	v21 =	vmul.f32 s1, v21;
	v20 =	vmul.f32 s1, v20;
	s4 =	smul.f32 $1.562500000e-02, s8;
	(v2sf) =	vpush v25, $0xF;
	v25, _, _ =	vpop (xrf2);
	s6 =	ssub.s32 $0x5F3759DF, s14  }
0x1db: {  	v29 =	vld [tilespmem:s18+$0x4050];
	v22 =	vmul.f32 v22, v0;
	(v2sf) =	vpush v25, $0xF;
	v23 =	vadd.f32 v23, v7;
	s8 =	smul.f32 s6, s29  }
0x1dc: {  	v28 =	vmov s20;
	s21 =	ssub.f32 $1.500000000e+00, s5;
	v24 =	vld [tilespmem:s18+$0x4070];
	s19 =	smul.f32 s16, s16;
	v21 =	vmul.f32 v21, v1  }
0x1dd: {  	v30 =	vld [tilespmem:s18+$0xC050];
	v27 =	vsub.f32 v14, v28;
	v20 =	vmul.f32 v20, v2;
	v22 =	vadd.f32 v22, v4;
	[tilespmem:s17+$0x14070] =	vst v23;
	s25 =	smul.f32 s6, s8  }
0x1de: {  	v25 =	vsub.f32 v13, v28;
	s26 =	ssub.f32 s4, s19;
	s4 =	smul.f32 s21, s7;
	v21 =	vadd.f32 v21, v5;
	v23 =	vld [tilespmem:s18+$0x4000]  }
0x1df: {  	s19 =	smul.f32 s28, s0;
	v53 =	vld [tilespmem:s18+$0xC000];
	[tilespmem:s17+$0x14040] =	vst v22;
	v22 =	vsub.f32 v16, v28;
	v16 =	vadd.f32 v20, v6;
	s21 =	ssub.f32 $1.500000000e+00, s25  }
0x1e0: {  	v56 =	vmov s2;
	s20 =	smul.f32 s4, s22;
	v28 =	vsub.f32 v12, v28;
	v12 =	vadd.f32 v26, v61  }
0x1e1: {  	v20 =	vsub.f32 v18, v56;
	v54 =	vld [tilespmem:s18+$0x4010];
	[tilespmem:s17+$0x14050] =	vst v21;
	v21 =	vadd.f32 v52, v24;
	v13, _, _ =	vpop (xrf2);
	s1 =	smul.f32 s6, s21  }
0x1e2: {  	s26 =	sadd.f32 $9.999999960e-13, s26;
	s25 =	smul.f32 s19, s28;
	(v2sf) =	vpush v13, $0xF;
	v13 =	vadd.f32 v30, v29;
	v14, _, _ =	vpop (xrf2)  }
0x1e3: {  	v55 =	vld [tilespmem:s18+$0xC010];
	[tilespmem:s17+$0x14060] =	vst v16;
	v59 =	vmul.f32 v12, v12;
	s19 =	smul.f32 s1, s29;
	(v2sf) =	vpush v14, $0xF;
	v14 =	vadd.f32 v63, v62  }
0x1e4: {  	s8 =	sshra.s32 s26, $0x1;
	s21 =	smul.f32 $5.000000000e-01, s26;
	v16 =	vld [tilespmem:s18+$0x4020];
	v61 =	vmul.f32 v21, v21;
	v18 =	vadd.f32 v13, v12;
	v60 =	vmul.f32 v13, v13  }
0x1e5: {  	s14 =	ssub.s32 $0x5F3759DF, s8;
	v26 =	vld [tilespmem:s18+$0xC020];
	s5 =	ssub.f32 $1.500000000e+00, s25;
	v29 =	vadd.f32 v53, v23;
	s6 =	smul.f32 s19, s1;
	v58 =	vadd.f32 v21, v14;
	v23 =	vmul.f32 v14, v14  }
0x1e6: {  	v24 =	vld [tilespmem:s18+$0x4030];
	s7 =	smul.f32 s14, s21;
	v45 =	vadd.f32 v60, v59  }
0x1e7: {  	v57 =	vld [tilespmem:s18+$0xC030];
	s28 =	smul.f32 s5, s28;
	s6 =	ssub.f32 $1.500000000e+00, s6;
	v18 =	vadd.f32 v58, v18;
	v62 =	vadd.f32 v61, v23  }
0x1e8: {  	s7 =	smul.f32 s14, s7  }
0x1e9: {  	s22 =	spop (v2sf);
	s1 =	smul.f32 s6, s1;
	(xrf2) =	vadd.scan.msk.f32 $0xffff, v18;
	v18 =	vadd.f32 v62, v45  }
0x1ea: {  	s22 =	smul.f32 $1.562500000e-02, s22;
	s25 =	spop (v2sf)  }
0x1eb: {  	v19 =	vsub.f32 v19, v56;
	v30 =	vadd.f32 v55, v54;
	s5 =	smul.f32 $1.562500000e-02, s25;
	(xrf2) =	vadd.scan.msk.f32 $0xffff, v18  }
0x1ec: {  	v32 =	vadd.f32 v26, v16;
	v26 =	vadd.f32 v57, v24;
	s6 =	smul.f32 s1, s29  }
0x1ed: {  	v63 =	vmov s16;
	v53 =	vmul.f32 v29, v29;
	v23 =	vsub.f32 v17, v56;
	s26 =	smul.f32 s22, s22  }
0x1ee: {  	v17 =	vadd.f32 v30, v29;
	s7 =	ssub.f32 $1.500000000e+00, s7;
	v54 =	vmul.f32 v30, v30;
	v51 =	vadd.f32 v26, v32;
	s6 =	smul.f32 s6, s1  }
0x1ef: {  	v24 =	vsub.f32 v15, v56;
	v55 =	vmul.f32 v32, v32;
	v56 =	vmul.f32 v26, v26;
	s16 =	ssub.f32 s5, s26  }
0x1f0: {  	s8 =	smul.f32 s20, s4;
	v17 =	vadd.f32 v51, v17;
	s6 =	ssub.f32 $1.500000000e+00, s6  }
0x1f1: {  	v52 =	vmov s3;
	v57 =	vadd.f32 v54, v53;
	v47 =	vadd.f32 v56, v55;
	s29 =	smul.f32 s14, s7  }
0x1f2: {  	s20 =	simm.s32 $0x280;
	v35 =	vsub.f32 v35, v52;
	v33 =	vsub.f32 v33, v52;
	(xrf2) =	vadd.scan.msk.f32 $0xffff, v17;
	s2 =	sadd.f32 $9.999999960e-13, s16;
	s1 =	smul.f32 s6, s1  }
0x1f3: {  	v44 =	vld [tilespmem:s20+$0x4050];
	v17 =	vsub.f32 v36, v63;
	v36 =	vadd.f32 v47, v57;
	s16 =	smul.f32 s29, s21;
	s19 =	spop (v2sf)  }
0x1f4: {  	v31 =	vsub.f32 v31, v52;
	v34 =	vsub.f32 v34, v52;
	v46 =	vld [tilespmem:s20+$0x4060];
	s3 =	smul.f32 $1.562500000e-02, s19;
	v35 =	vmul.f32 s1, v35;
	v59, _, _ =	vpop (xrf2)  }
0x1f5: {  	v48 =	vld [tilespmem:s20+$0xC060];
	v15 =	vsub.f32 v39, v63;
	v16 =	vsub.f32 v38, v63;
	s26 =	sshra.s32 s2, $0x1;
	s30 =	smul.f32 $5.000000000e-01, s2;
	s25 =	spop (v2sf);
	v61, _, _ =	vpop (xrf2);
	(xrf2) =	vadd.scan.msk.f32 $0xffff, v36  }
0x1f6: {  	v49 =	vld [tilespmem:s20+$0x4070];
	s31 =	ssub.s32 $0x5F3759DF, s26;
	s5 =	smul.f32 $1.562500000e-02, s25;
	v33 =	vmul.f32 s1, v33;
	(v2sf) =	vpush v59, $0xF;
	v35 =	vmul.f32 v35, v3  }
0x1f7: {  	v38 =	vld [tilespmem:s20+$0x4040];
	v58 =	vmov s3;
	s7 =	smul.f32 s31, s30;
	v31 =	vmul.f32 s1, v31;
	v51 =	vmul.f32 s1, v34  }
0x1f8: {  	v45 =	vld [tilespmem:s20+$0xC050];
	s14 =	smul.f32 s3, s3;
	v60 =	vmul.f32 v33, v0;
	(v2sf) =	vpush v61, $0xF;
	v52 =	vadd.f32 v35, v7  }
0x1f9: {  	v18 =	vsub.f32 v37, v63;
	v37 =	vld [tilespmem:s20+$0xC040];
	s26 =	ssub.f32 $1.500000000e+00, s8;
	v34 =	vsub.f32 v41, v58;
	s19 =	smul.f32 s31, s7;
	v62 =	vmul.f32 v31, v1  }
0x1fa: {  	v50 =	vld [tilespmem:s20+$0xC070];
	s25 =	smul.f32 s16, s29;
	s1 =	ssub.f32 s5, s14;
	v33 =	vsub.f32 v42, v58;
	v51 =	vmul.f32 v51, v2;
	v63 =	vadd.f32 v60, v4;
	[tilespmem:s12+$0x14070] =	vst v52  }
0x1fb: {  	s2 =	smul.f32 s26, s4;
	v35 =	vsub.f32 v43, v58;
	s6 =	ssub.f32 $1.500000000e+00, s19;
	v41 =	vadd.f32 v62, v5;
	v43 =	vld [tilespmem:s20+$0x4000]  }
0x1fc: {  	v31 =	vsub.f32 v40, v58;
	s7 =	smul.f32 s28, s0;
	s0 =	simm.s32 $0xC00;
	v42, _, _ =	vpop (xrf2);
	v40 =	vadd.f32 v51, v6;
	s4 =	sadd.f32 $9.999999960e-13, s1;
	v47 =	vld [tilespmem:s20+$0xC000];
	[tilespmem:s12+$0x14040] =	vst v63  }
.LBB2_5:
0x1fd: {  	p0 =	sne.s32 s0, $0xFE00;
	v39 =	vld [tilespmem:s20+$0x4010];
	(v2sf) =	vpush v42, $0xF;
	s6 =	smul.f32 s31, s6;
	s1 =	ssub.f32 $1.500000000e+00, s25;
	[tilespmem:s12+$0x14050] =	vst v41  }
0x1fe: {  	v37 =	vadd.f32 v37, v38;
	v42 =	vadd.f32 v45, v44;
	s3 =	smov.u32 s28;
	v51 =	vld [tilespmem:s20+$0xC010];
	s5 =	sshra.s32 s4, $0x1;
	s16 =	smul.f32 $5.000000000e-01, s4;
	[tilespmem:s12+$0x14060] =	vst v40;
	v38 =	vmul.f32 s2, v22;
	v22 =	vmovc v19  }
0x1ff: {  	v40 =	vadd.f32 v48, v46;
	v45 =	vmul.f32 s2, v25;
	v44 =	vld [tilespmem:s20+$0x4020];
	v41 =	vadd.f32 v50, v49;
	v19, _, _ =	vpop (xrf2);
	s4 =	ssub.s32 $0x5F3759DF, s5;
	s5 =	smul.f32 s6, s30  }
0x200: {  	v48 =	vadd.f32 v42, v37;
	v49 =	vmul.f32 s2, v27;
	v46 =	vld [tilespmem:s20+$0xC020];
	(v2sf) =	vpush v19, $0xF;
	s8 =	smul.f32 s4, s16;
	v19 =	vmovc v15;
	v15 =	vmovc v35  }
0x201: {  	v25 =	vmovc v20;
	v50 =	vmul.f32 v37, v37;
	v52 =	vmul.f32 v42, v42;
	v35 =	vld [tilespmem:s20+$0x4030];
	v54 =	vadd.f32 v41, v40;
	s5 =	smul.f32 s5, s6  }
0x202: {  	v20 =	vmovc v16;
	v36 =	vadd.f32 v47, v43;
	v47 =	vmul.f32 v40, v40;
	v53 =	vmul.f32 v41, v41;
	v43 =	vld [tilespmem:s20+$0xC030];
	s8 =	smul.f32 s4, s8  }
0x203: {  	v16 =	vmovc v34;
	s28 =	smul.f32 s1, s29;
	v27 =	vmovc v23;
	v39 =	vadd.f32 v51, v39;
	v48 =	vadd.f32 v54, v48;
	s5 =	ssub.f32 $1.500000000e+00, s5;
	v51 =	vmul.f32 s2, v28  }
0x204: {  	v23 =	vmovc v18;
	v34 =	vadd.f32 v52, v50;
	v54 =	vmul.f32 v36, v36;
	v47 =	vadd.f32 v53, v47;
	s2 =	smul.f32 s7, s3;
	s1 =	ssub.f32 $1.500000000e+00, s8  }
0x205: {  	v52 =	vadd.f32 v46, v44;
	v44 =	vadd.f32 v39, v36;
	v46 =	vmul.f32 v39, v39;
	(xrf2) =	vadd.scan.msk.f32 $0xffff, v48;
	s7 =	spop (v2sf);
	s5 =	smul.f32 s5, s6  }
0x206: {  	v18 =	vmovc v33;
	v38 =	vmul.f32 v38, v0;
	v45 =	vmul.f32 v45, v1;
	v34 =	vadd.f32 v47, v34;
	s2 =	ssub.f32 $1.500000000e+00, s2;
	s6 =	smul.f32 $1.562500000e-02, s7  }
0x207: {  	s7 =	spop (v2sf);
	s8 =	smul.f32 s5, s30  }
0x208: {  	v28 =	vmovc v24;
	v43 =	vadd.f32 v43, v35;
	v33 =	vadd.f32 v46, v54;
	v35 =	vmul.f32 v52, v52;
	s7 =	smul.f32 $1.562500000e-02, s7  }
0x209: {  	v46 =	vmul.f32 v51, v3;
	(xrf2) =	vadd.scan.msk.f32 $0xffff, v34;
	v34 =	vadd.f32 v38, v4;
	v38 =	vmul.f32 v49, v2;
	s14 =	smul.f32 s6, s6  }
0x20a: {  	v45 =	vadd.f32 v45, v5;
	v24 =	vmovc v17;
	v47 =	vadd.f32 v43, v52;
	v48 =	vmul.f32 v43, v43;
	s8 =	smul.f32 s8, s5  }
0x20b: {  	v17 =	vmov v31;
	s29 =	smul.f32 s4, s1;
	[tilespmem:s11+$0x14000] =	vst v34;
	v34 =	vadd.f32 v38, v6;
	v38 =	vadd.f32 v46, v7;
	s4 =	ssub.f32 s7, s14  }
0x20c: {  	v31 =	vadd.f32 v47, v44;
	v35 =	vadd.f32 v48, v35;
	s1 =	ssub.f32 $1.500000000e+00, s8;
	[tilespmem:s11+$0x14010] =	vst v45;
	v44 =	vmov s22;
	s22 =	smov.u32 s6  }
0x20d: {  	s6 =	sshra.s32 s0, $0x2;
	s8 =	smul.f32 s29, s16;
	s7 =	spop (v2sf);
	[tilespmem:s11+$0x14020] =	vst v34;
	v46 =	vsub.f32 v9, v44  }
0x20e: {  	s4 =	sadd.f32 $9.999999960e-13, s4;
	v33 =	vadd.f32 v35, v33;
	(xrf2) =	vadd.scan.msk.f32 $0xffff, v31;
	s1 =	smul.f32 s1, s5;
	v31 =	vsub.f32 v11, v44;
	[tilespmem:s11+$0x14030] =	vst v38;
	v11 =	vmovc v21;
	s11 =	smov.u32 s17  }
0x20f: {  	v34 =	vsub.f32 v8, v44;
	v9 =	vmovc v12;
	v12 =	vmovc v37;
	v8 =	vmov v13;
	v47 =	vsub.f32 v10, v44;
	s5 =	smul.f32 $1.562500000e-02, s7;
	s17 =	smov.u32 s12;
	v38 =	vld [tilespmem:s6+$0x4040]  }
0x210: {  	v13 =	vmov v42;
	s12 =	smov.u32 s13;
	s30 =	smul.f32 $5.000000000e-01, s4;
	v37 =	vld [tilespmem:s6+$0xC040];
	v35, _, _ =	vpop (xrf2);
	s7 =	spop (v2sf);
	v48 =	vmul.f32 s1, v31;
	v49 =	vmul.f32 s1, v46  }
0x211: {  	v10 =	vmovc v14;
	s13 =	smov.u32 s18;
	s14 =	sshra.s32 s4, $0x1;
	v42 =	vmov s5;
	v50 =	vmul.f32 s1, v34;
	v47 =	vmul.f32 s1, v47;
	s1 =	smul.f32 s5, s5;
	v44 =	vld [tilespmem:s6+$0x4050];
	(xrf2) =	vadd.scan.msk.f32 $0xffff, v33  }
0x212: {  	v14 =	vmovc v40;
	v21 =	vmovc v41;
	s18 =	smov.u32 s20;
	s31 =	ssub.s32 $0x5F3759DF, s14;
	s4 =	smul.f32 $1.562500000e-02, s7;
	v45 =	vld [tilespmem:s6+$0xC050];
	(v2sf) =	vpush v35, $0xF;
	v35 =	vsub.f32 v29, v42;
	v51 =	vmul.f32 v48, v3  }
0x213: {  	s20 =	smov.u32 s6;
	v34 =	vsub.f32 v30, v42;
	v33 =	vsub.f32 v32, v42;
	s7 =	smul.f32 s31, s30;
	v46 =	vld [tilespmem:s6+$0x4060];
	v31, _, _ =	vpop (xrf2)  }
.Ltmp1:
0x214: {  	v53 =	vmul.f32 v49, v0;
	v48 =	vld [tilespmem:s20+$0xC060];
	(v2sf) =	vpush v31, $0xF;
	v40 =	vadd.f32 v51, v7;
	(pc) =	sbr.rel @p0 .LBB2_5-.Ltmp1, $4  }
0x215: {  	v41 =	vmul.f32 v50, v1;
	v29 =	vmovc v36;
	s5 =	smul.f32 s31, s7;
	v31 =	vsub.f32 v26, v42;
	v51 =	vmul.f32 v47, v2;
	v49 =	vld [tilespmem:s20+$0x4070]  }
0x216: {  	s25 =	smul.f32 s8, s29;
	v30 =	vmovc v39;
	v32 =	vmov v52;
	s1 =	ssub.f32 s4, s1;
	v36 =	vadd.f32 v53, v4;
	v26 =	vmov v43;
	v50 =	vld [tilespmem:s20+$0xC070];
	[tilespmem:s12+$0x14070] =	vst v40  }
0x217: {  	s7 =	smul.f32 s28, s21;
	s21 =	smov.u32 s16;
	v41 =	vadd.f32 v41, v5;
	s6 =	ssub.f32 $1.500000000e+00, s5;
	v40 =	vadd.f32 v51, v6;
	v43 =	vld [tilespmem:s20+$0x4000]  }
0x218: {  	s2 =	smul.f32 s2, s3;
	s0 =	sadd.s32 $0x200, s0;
	s4 =	sadd.f32 $9.999999960e-13, s1;
	v47 =	vld [tilespmem:s20+$0xC000];
	v42, _, _ =	vpop (xrf2);
	[tilespmem:s12+$0x14040] =	vst v36  }
0x219: {  	_ = 	snop  }
0x21a: {  	v38 =	vadd.f32 v37, v38;
	v37 =	vadd.f32 v45, v44  }
0x21b: {  	s1 =	smul.f32 s31, s6;
	v36 =	vadd.f32 v48, v46;
	v39 =	vadd.f32 v50, v49  }
0x21c: {  	v52 =	vmul.f32 v38, v38;
	v45 =	vmul.f32 v37, v37  }
0x21d: {  	(v2sf) =	vpush v42, $0xF;
	s3 =	smul.f32 s1, s30;
	v48 =	vmul.f32 v36, v36;
	v49 =	vmul.f32 v39, v39  }
0x21e: {  	v63 =	vld [tilespmem:s20+$0x4010];
	[tilespmem:s12+$0x14050] =	vst v41;
	s5 =	sshra.s32 s4, $0x1;
	s0 =	smul.f32 $5.000000000e-01, s4;
	v54 =	vadd.f32 v37, v38;
	v56 =	vadd.f32 v39, v36  }
0x21f: {  	v55 =	vld [tilespmem:s20+$0xC010];
	[tilespmem:s12+$0x14060] =	vst v40;
	s14 =	ssub.s32 $0x5F3759DF, s5;
	s3 =	smul.f32 s3, s1;
	v57 =	vadd.f32 v45, v52;
	v58 =	vadd.f32 v49, v48  }
0x220: {  	v53, _, _ =	vpop (xrf2);
	v59 =	vld [tilespmem:s20+$0x4020];
	s5 =	smul.f32 s14, s0;
	v41 =	vadd.f32 v56, v54  }
0x221: {  	v60 =	vld [tilespmem:s20+$0xC020];
	(v2sf) =	vpush v53, $0xF;
	s3 =	ssub.f32 $1.500000000e+00, s3;
	v40 =	vadd.f32 v58, v57  }
0x222: {  	v61 =	vld [tilespmem:s20+$0x4030];
	s5 =	smul.f32 s14, s5;
	(xrf2) =	vadd.scan.msk.f32 $0xffff, v41  }
0x223: {  	v62 =	vld [tilespmem:s20+$0xC030];
	s16 =	spop (v2sf);
	s1 =	smul.f32 s3, s1;
	(xrf2) =	vadd.scan.msk.f32 $0xffff, v40  }
0x224: {  	s16 =	smul.f32 $1.562500000e-02, s16;
	s19 =	spop (v2sf)  }
0x225: {  	s3 =	smul.f32 $1.562500000e-02, s19  }
0x226: {  	s26 =	ssub.f32 $1.500000000e+00, s25;
	s8 =	smul.f32 s16, s16  }
0x227: {  	s7 =	smul.f32 s7, s28;
	v43 =	vadd.f32 v47, v43;
	v42 =	vadd.f32 v60, v59;
	s5 =	ssub.f32 $1.500000000e+00, s5  }
0x228: {  	s29 =	smul.f32 s26, s29;
	v41 =	vadd.f32 v55, v63;
	v40 =	vadd.f32 v62, v61;
	s3 =	ssub.f32 s3, s8  }
0x229: {  	v63 =	vmul.f32 v43, v43;
	v55 =	vmul.f32 v42, v42;
	s30 =	smul.f32 s1, s30  }
0x22a: {  	s4 =	smul.f32 s14, s5;
	v53 =	vmul.f32 v41, v41;
	v49 =	vmul.f32 v40, v40;
	s3 =	sadd.f32 $9.999999960e-13, s3  }
0x22b: {  	v52 =	vadd.f32 v41, v43;
	v54 =	vadd.f32 v40, v42;
	s31 =	smul.f32 s30, s1  }
0x22c: {  	v44 =	vadd.f32 v53, v63;
	v57 =	vadd.f32 v49, v55;
	s25 =	spop (v2sf);
	s14 =	sshra.s32 s3, $0x1;
	s19 =	smul.f32 $5.000000000e-01, s3;
	v56, _, _ =	vpop (xrf2)  }
0x22d: {  	v45 =	vadd.f32 v54, v52;
	s6 =	smul.f32 $1.562500000e-02, s25;
	s3 =	ssub.s32 $0x5F3759DF, s14;
	(v2sf) =	vpush v56, $0xF;
	v58, _, _ =	vpop (xrf2)  }
0x22e: {  	v44 =	vadd.f32 v57, v44;
	s14 =	smul.f32 s3, s19;
	(v2sf) =	vpush v58, $0xF  }
0x22f: {  	(xrf2) =	vadd.scan.msk.f32 $0xffff, v45;
	s25 =	smul.f32 s6, s6  }
0x230: {  	s26 =	spop (v2sf);
	(xrf2) =	vadd.scan.msk.f32 $0xffff, v44;
	s14 =	smul.f32 s3, s14  }
0x231: {  	s8 =	ssub.f32 $1.500000000e+00, s31;
	s5 =	smul.f32 $1.562500000e-02, s26  }
0x232: {  	s31 =	smul.f32 s4, s0;
	s30 =	ssub.f32 $1.500000000e+00, s14  }
0x233: {  	s26 =	smul.f32 s8, s1;
	s5 =	ssub.f32 s5, s25  }
0x234: {  	s1 =	smul.f32 s3, s30  }
0x235: {  	s8 =	smul.f32 s31, s4;
	s14 =	sadd.f32 $9.999999960e-13, s5  }
0x236: {  	s25 =	smul.f32 s1, s19  }
0x237: {  	s30 =	sshra.s32 s14, $0x1;
	s3 =	smul.f32 $5.000000000e-01, s14  }
0x238: {  	s7 =	ssub.f32 $1.500000000e+00, s7;
	s14 =	ssub.s32 $0x5F3759DF, s30;
	s5 =	smul.f32 s25, s1  }
0x239: {  	s31 =	smul.f32 s14, s3;
	v59, _, _ =	vpop (xrf2)  }
0x23a: {  	s25 =	smul.f32 s7, s28;
	(v2sf) =	vpush v59, $0xF;
	v60, _, _ =	vpop (xrf2);
	s5 =	ssub.f32 $1.500000000e+00, s5  }
0x23b: {  	s7 =	smul.f32 s14, s31;
	(v2sf) =	vpush v60, $0xF  }
0x23c: {  	s1 =	smul.f32 s5, s1;
	s31 =	spop (v2sf)  }
0x23d: {  	s28 =	smul.f32 $1.562500000e-02, s31;
	s30 =	spop (v2sf)  }
0x23e: {  	s5 =	smul.f32 $1.562500000e-02, s30  }
0x23f: {  	s8 =	ssub.f32 $1.500000000e+00, s8;
	s31 =	smul.f32 s28, s28  }
0x240: {  	s7 =	ssub.f32 $1.500000000e+00, s7;
	s19 =	smul.f32 s1, s19  }
0x241: {  	s4 =	smul.f32 s8, s4;
	s5 =	ssub.f32 s5, s31  }
0x242: {  	s30 =	smul.f32 s19, s1  }
0x243: {  	s7 =	smul.f32 s14, s7;
	s5 =	sadd.f32 $9.999999960e-13, s5  }
0x244: {  	s19 =	smul.f32 s29, s21;
	s8 =	ssub.f32 $1.500000000e+00, s30  }
0x245: {  	v22 =	vmul.f32 s2, v22;
	v25 =	vmul.f32 s2, v25;
	s31 =	sshra.s32 s5, $0x1;
	s30 =	smul.f32 $5.000000000e-01, s5  }
0x246: {  	v27 =	vmul.f32 s2, v27;
	v28 =	vmul.f32 s2, v28;
	s21 =	smul.f32 s8, s1;
	s1 =	ssub.s32 $0x5F3759DF, s31  }
0x247: {  	v22 =	vmul.f32 v22, v0;
	v25 =	vmul.f32 v25, v1;
	s5 =	smul.f32 s1, s30  }
0x248: {  	v27 =	vmul.f32 v27, v2;
	v28 =	vmul.f32 v28, v3;
	s2 =	smul.f32 s19, s29  }
0x249: {  	v22 =	vadd.f32 v22, v4;
	v25 =	vadd.f32 v25, v5;
	s31 =	spop (v2sf);
	s5 =	smul.f32 s1, s5  }
0x24a: {  	v27 =	vadd.f32 v27, v6;
	v28 =	vadd.f32 v28, v7;
	v61 =	vmov s22;
	s31 =	smul.f32 $1.562500000e-02, s31;
	s14 =	spop (v2sf)  }
0x24b: {  	v11 =	vsub.f32 v11, v61;
	v9 =	vsub.f32 v9, v61;
	v62 =	vmov s6;
	s6 =	smul.f32 $1.562500000e-02, s14;
	s5 =	ssub.f32 $1.500000000e+00, s5  }
0x24c: {  	v8 =	vsub.f32 v8, v61;
	v44 =	vsub.f32 v10, v61;
	s19 =	smul.f32 s31, s31  }
0x24d: {  	v57 =	vmov s16;
	v11 =	vmul.f32 s26, v11;
	v63 =	vmul.f32 s26, v9;
	s1 =	smul.f32 s1, s5  }
0x24e: {  	v21 =	vsub.f32 v21, v57;
	v48 =	vmul.f32 s26, v8;
	v49 =	vmul.f32 s26, v44;
	s26 =	smul.f32 s7, s3  }
0x24f: {  	v12 =	vsub.f32 v12, v57;
	v13 =	vsub.f32 v13, v57;
	s5 =	ssub.f32 s6, s19;
	s22 =	smul.f32 s1, s30  }
0x250: {  	v14 =	vsub.f32 v14, v57;
	v10 =	vsub.f32 v29, v62;
	v11 =	vmul.f32 v11, v3;
	s2 =	ssub.f32 $1.500000000e+00, s2;
	s14 =	smul.f32 s26, s7  }
0x251: {  	v9 =	vsub.f32 v30, v62;
	v50 =	vmul.f32 v63, v0;
	v52 =	vmul.f32 v48, v1;
	s5 =	sadd.f32 $9.999999960e-13, s5;
	s8 =	smul.f32 s22, s1  }
0x252: {  	v8 =	vsub.f32 v32, v62;
	v19 =	vmul.f32 s25, v19;
	v20 =	vmul.f32 s25, v20;
	s22 =	smul.f32 s2, s29  }
0x253: {  	v51 =	vadd.f32 v11, v7;
	v23 =	vmul.f32 s25, v23;
	v24 =	vmul.f32 s25, v24;
	s25 =	sshra.s32 s5, $0x1;
	s2 =	smul.f32 $5.000000000e-01, s5;
	s5 =	ssub.f32 $1.500000000e+00, s14  }
0x254: {  	[tilespmem:s11+$0x14000] =	vst v22;
	v53 =	vmul.f32 v49, v2;
	v11 =	vsub.f32 v26, v62;
	v54 =	vadd.f32 v50, v4;
	s29 =	smul.f32 s4, s0  }
0x255: {  	[tilespmem:s11+$0x14010] =	vst v25;
	v55 =	vadd.f32 v52, v5;
	v19 =	vmul.f32 v19, v0;
	v20 =	vmul.f32 v20, v1;
	s19 =	ssub.f32 $1.500000000e+00, s8;
	s8 =	ssub.s32 $0x5F3759DF, s25;
	s0 =	smul.f32 s5, s7  }
0x256: {  	[tilespmem:s11+$0x14020] =	vst v27;
	v56 =	vadd.f32 v53, v6;
	v23 =	vmul.f32 v23, v2;
	v24 =	vmul.f32 v24, v3;
	s26 =	smul.f32 s8, s2  }
0x257: {  	[tilespmem:s11+$0x14030] =	vst v28;
	v19 =	vadd.f32 v19, v4;
	v20 =	vadd.f32 v20, v5;
	s1 =	smul.f32 s19, s1  }
0x258: {  	[tilespmem:s13+$0x14070] =	vst v51;
	v23 =	vadd.f32 v23, v6;
	v24 =	vadd.f32 v24, v7;
	v21 =	vmul.f32 s21, v21;
	s14 =	smul.f32 s8, s26  }
0x259: {  	[tilespmem:s13+$0x14040] =	vst v54;
	v25 =	vmov s28;
	v12 =	vmul.f32 s21, v12;
	v13 =	vmul.f32 s21, v13;
	s16 =	smul.f32 s1, s30  }
0x25a: {  	[tilespmem:s13+$0x14050] =	vst v55;
	v28 =	vsub.f32 v39, v25;
	v14 =	vmul.f32 s21, v14;
	v21 =	vmul.f32 v21, v3;
	s19 =	smul.f32 s29, s4;
	s5 =	ssub.f32 $1.500000000e+00, s14  }
0x25b: {  	[tilespmem:s13+$0x14060] =	vst v56;
	v32 =	vsub.f32 v38, v25;
	v12 =	vmul.f32 v12, v0;
	v13 =	vmul.f32 v13, v1;
	s6 =	smul.f32 s16, s1  }
0x25c: {  	[tilespmem:s17+$0x14000] =	vst v19;
	v39 =	vsub.f32 v37, v25;
	v14 =	vmul.f32 v14, v2;
	v62 =	vadd.f32 v21, v7;
	s5 =	smul.f32 s8, s5  }
0x25d: {  	[tilespmem:s17+$0x14010] =	vst v20;
	v58 =	vmov s31;
	v12 =	vadd.f32 v12, v4;
	v13 =	vadd.f32 v13, v5;
	s3 =	smul.f32 s0, s3;
	s6 =	ssub.f32 $1.500000000e+00, s6  }
0x25e: {  	[tilespmem:s17+$0x14020] =	vst v23;
	v14 =	vadd.f32 v14, v6;
	v59 =	vsub.f32 v43, v58;
	v15 =	vmul.f32 s22, v15;
	s8 =	smul.f32 s5, s2  }
0x25f: {  	[tilespmem:s17+$0x14030] =	vst v24;
	v60 =	vsub.f32 v41, v58;
	v16 =	vmul.f32 s22, v16;
	v18 =	vmul.f32 s22, v18;
	s1 =	smul.f32 s6, s1  }
0x260: {  	v61 =	vsub.f32 v42, v58;
	[tilespmem:s18+$0x14070] =	vst v62;
	v17 =	vmul.f32 s22, v17;
	v15 =	vmul.f32 v15, v0;
	s22 =	smul.f32 s8, s5  }
0x261: {  	v63 =	vsub.f32 v40, v58;
	v41 =	vsub.f32 v36, v25;
	[tilespmem:s18+$0x14040] =	vst v12;
	v16 =	vmul.f32 v16, v1;
	s21 =	ssub.f32 $1.500000000e+00, s19  }
0x262: {  	[tilespmem:s18+$0x14050] =	vst v13;
	v30 =	vmul.f32 v18, v2;
	v29 =	vadd.f32 v15, v4;
	s3 =	smul.f32 s3, s0;
	v19 =	vmul.f32 s1, v28;
	s25 =	ssub.f32 $1.500000000e+00, s22  }
0x263: {  	[tilespmem:s18+$0x14060] =	vst v14;
	v38 =	vmul.f32 v17, v3;
	v40 =	vadd.f32 v16, v5;
	s4 =	smul.f32 s21, s4;
	v18 =	vmul.f32 s1, v32  }
0x264: {  	v42 =	vadd.f32 v30, v6;
	[tilespmem:s12+$0x14000] =	vst v29;
	v43 =	vmul.f32 s1, v39;
	v44 =	vmul.f32 v19, v3;
	s5 =	smul.f32 s25, s5  }
0x265: {  	v13 =	vadd.f32 v38, v7;
	[tilespmem:s12+$0x14010] =	vst v40;
	s26 =	ssub.f32 $1.500000000e+00, s3;
	v45 =	vmul.f32 s1, v41;
	v46 =	vmul.f32 v18, v0  }
0x266: {  	[tilespmem:s12+$0x14020] =	vst v42;
	v48 =	vmul.f32 s4, v35;
	v15 =	vmul.f32 v43, v1;
	v47 =	vadd.f32 v44, v7;
	s2 =	smul.f32 s5, s2  }
0x267: {  	[tilespmem:s12+$0x14030] =	vst v13;
	v51 =	vmul.f32 s4, v34;
	s0 =	smul.f32 s26, s0;
	v49 =	vmul.f32 v45, v2;
	v50 =	vadd.f32 v46, v4  }
0x268: {  	v53 =	vmul.f32 s4, v33;
	v17 =	vmul.f32 v48, v0;
	v52 =	vadd.f32 v15, v5;
	[tilespmem:s20+$0x14070] =	vst v47;
	s28 =	smul.f32 s2, s5  }
0x269: {  	v54 =	vmul.f32 s4, v31;
	v16 =	vmul.f32 v51, v1;
	v13 =	vadd.f32 v49, v6;
	[tilespmem:s20+$0x14040] =	vst v50  }
0x26a: {  	v10 =	vmul.f32 s0, v10;
	v55 =	vadd.f32 v17, v4;
	v15 =	vmul.f32 v53, v2;
	[tilespmem:s20+$0x14050] =	vst v52;
	s1 =	ssub.f32 $1.500000000e+00, s28  }
0x26b: {  	v56 =	vmul.f32 v54, v3;
	v9 =	vmul.f32 s0, v9;
	v57 =	vadd.f32 v16, v5;
	[tilespmem:s20+$0x14060] =	vst v13  }
0x26c: {  	v8 =	vmul.f32 s0, v8;
	v10 =	vmul.f32 v10, v0;
	v58 =	vadd.f32 v15, v6;
	[tilespmem:s13+$0x14000] =	vst v55;
	s1 =	smul.f32 s1, s5  }
0x26d: {  	v11 =	vmul.f32 s0, v11;
	v9 =	vmul.f32 v9, v1;
	v13 =	vadd.f32 v56, v7;
	[tilespmem:s13+$0x14010] =	vst v57  }
0x26e: {  	v8 =	vmul.f32 v8, v2;
	v10 =	vadd.f32 v10, v4;
	[tilespmem:s13+$0x14020] =	vst v58;
	v59 =	vmul.f32 s1, v59  }
0x26f: {  	v11 =	vmul.f32 v11, v3;
	v9 =	vadd.f32 v9, v5;
	[tilespmem:s13+$0x14030] =	vst v13;
	v60 =	vmul.f32 s1, v60  }
0x270: {  	v8 =	vadd.f32 v8, v6;
	[tilespmem:s18+$0x14000] =	vst v10;
	v62 =	vmul.f32 s1, v63;
	v12 =	vmul.f32 v59, v0  }
0x271: {  	v11 =	vadd.f32 v11, v7;
	[tilespmem:s18+$0x14010] =	vst v9;
	v61 =	vmul.f32 s1, v61;
	v13 =	vmul.f32 v60, v1  }
0x272: {  	s23 =	sadd.s32 $0x1, s23;
	[tilespmem:s18+$0x14020] =	vst v8;
	v9 =	vmul.f32 v62, v3;
	v8 =	vadd.f32 v12, v4  }
0x273: {  	p0 =	sne.s32 s23, $0x32;
	[tilespmem:s18+$0x14030] =	vst v11;
	v10 =	vmul.f32 v61, v2;
	v63 =	vadd.f32 v13, v5  }
.Ltmp2:
0x274: {  	v9 =	vadd.f32 v9, v7;
	[tilespmem:s20+$0x14000] =	vst v8;
	(pc) =	sbr.rel @p0 .LBB2_2-.Ltmp2, $4  }
0x275: {  	s29 =	sshll.u32 s24, $0x3;
	v8 =	vadd.f32 v10, v6;
	[tilespmem:s20+$0x14010] =	vst v63  }
0x276: {  	s30 =	rddreg [dreg:$0x3];
	s0 =	sand.u32 $0x1FFFF800, s29;
	[tilespmem:s20+$0x14030] =	vst v9  }
0x277: {  	s31 =	simm.s32 $0x14000;
	s3 =	simm.s32 $0x0;
	s0 =	sadd.s32 s30, s0;
	[tilespmem:s20+$0x14020] =	vst v8  }
0x278: {  	[hbm4b:s0+s3] =	stream.linear.scatter [tilespmem:s31], [sflag:$0x4], $0x4000, $0x38;
	[tilespmem:$0x18480] =	vst v63  }
0x279: {  	s0 =	simm.s32 $0x3  }
0x27a: {  	_ =	swait.ge [sflag:s0], $0x4000  }
0x27b: {  	[sflag:s0] =	ssyncset.done $0x0  }
0x27c: {  	s1 =	simm.s32 $0x4;
	[sflag:s0] =	ssyncadd.s32 $0xFFFFC000  }
0x27d: {  	_ =	swait.ge [sflag:s1], $0x4000  }
0x27e: {  	s2 =	rddreg [dreg:$0xb]  }
0x27f: {  	s31 =	rddreg [dreg:$0xa];
	s2 =	sadd.s32 $0x1, s2  }
0x280: {  	p0 =	sne.s32 s2, s31  }
.Ltmp3:
0x281: {  	_ = 	snop;
	(pc) =	sbr.rel @p0 .LBB2_1-.Ltmp3, $3  }
0x282: {  	_ =	sdelay $0x1  }
0x283: {  	[sflag:s1] =	ssyncset.done $0x0  }
0x284: {  	[sflag:s1] =	ssyncadd.s32 $0xFFFFC000  }
0x285: {  	_ =	sfence.sel $0x180000  }
0x286: {  	[bflag:$0x0] =	sbarrier.arrive $0xFFFF  }
0x287: {  	_ =	strace $0x90000047  }
0x288: {  	s0 =	stileid.u32;
	[bflag:$0x2] =	sbarrier.arrive $0xFFFF  }
0x289: {  	p0 =	sne.s32 s0, $0x0;
	s0 =	rddreg [dreg:$0x4]  }
0x28a: {  	s0 =	sadd.s32 @!p0 $0x100000, s0  }
0x28b: {  	[sflag:s0] =	ssyncadd.tile.s32 @!p0 $0x1;
	_ =	shalt  }
.Lfunc_end2:
_tile_overlayer_lowered:
.L_overlay_start_2:
0x28c: {  	(tag) =	ssettag $0x2  }
0x28d: {  	s0 =	rddreg [dreg:$0x0];
	s2 =	stileid.u32  }
0x28e: {  	s1 =	rddreg [dreg:$0x1];
	p0 =	sne.s32 s2, $0x0  }
0x28f: {  	s3 =	rddreg [dreg:$0x2];
	[bflag:$0x3] =	sbarrier.arrive $0xFFFF;
	s2 =	simm.s32 @!p0 $0x1C05  }
0x290: {  	[timem:s3], [sflag:s2] =	dma.local @!p0 [hbm:s0], s1  }
0x291: {  	s0 =	simm.s32 @!p0 $0x5  }
0x292: {  	_ =	swait.ge @!p0 [sflag:s0], s1  }
0x293: {  	s1 =	ssub.s32 @!p0 $0x0, s1;
	[sflag:s0] =	ssyncset.done @!p0 $0x0  }
0x294: {  	[sflag:s0] =	ssyncadd.s32 @!p0 s1  }
0x295: {  	[bflag:$0x3] =	sbarrier.arrive $0xFFFF  }
0x296: {  	_ =	shalt  }

// kernel: sparse-core-data-format-call.cloned.1.call-start
scs
called_computation_lowered:
.L_overlay_start_0:
0x0: {  	s2 =	sld [smem:$0x3FD9]  }
0x1: {  	s3 =	sld [smem:$0x3FFE];
	_ =	sdelay $0x1  }
0x2: {  	s1 =	srdreg.scid  }
0x3: {  	s0 =	sand.u32 $0x1, s1  }
0x4: {  	s18 =	sshll.u32 s0, $0xA;
	s2 =	sadd.s32 s3, s2  }
0x5: {  	s2 =	sadd.s32 s2, s18  }
0x6: {  	[smem:$0x3FC0] =	sst s2  }
0x7: {  	_ = 	snop  }
0x8: {  	s2 =	sld [smem:$0x3FD0];
	(tm) =	ssettm $0x1  }
0x9: {  	s19 =	sld [smem:$0x3FFB];
	_ =	sdelay $0x3  }
0xa: {  	_ =	strace s19  }
0xb: {  	s3 =	sld [smem:$0x3FFC];
	_ =	sdelay $0x3  }
0xc: {  	_ =	strace s3  }
0xd: {  	s3 =	sld [smem:$0x3FFD];
	_ =	sdelay $0x3  }
0xe: {  	_ =	strace s3  }
0xf: {  	_ =	strace $0x8FFFFFFF  }
0x10: {  	s20 =	sld [smem:$0x3FDB];
	_ =	sdelay $0x1  }
0x11: {  	s4 =	simm.s32 $_scs_section_size  }
0x12: {  	s5 =	simm.s32 $_size__tile_overlayer_lowered;
	s6 =	simm.s32 $_tile_overlayer_lowered  }
0x13: {  	s23 =	simm.s32 $0x1BFF;
	s22 =	sshll.u32 s6, $0x1;
	s3 =	sadd.s32 s4, s20  }
0x14: {  	s7 =	simm.s32 $0x0;
	s21 =	sshll.u32 s5, $0x1;
	s5 =	sadd.s32 s22, s3  }
0x15: {  	[timem:s7], [sflag:s23] =	dma.local [hbm:s5], s21  }
0x16: {  	_ =	swait.ge [sflag:s23], s21  }
0x17: {  	s4 =	ssub.s32 $0x0, s21;
	[sflag:s23] =	ssyncset.done $0x0  }
0x18: {  	[sflag:s23] =	ssyncadd.s32 s4;
	_ =	sdelay $0x1  }
0x19: {  	s24 =	simm.s32 $0x1B8B  }
0x1a: {  	_ =	swait.ge [sflag:s24], $0x1  }
0x1b: {  	[sflag:s24] =	ssyncset.done $0x0  }
0x1c: {  	s26 =	simm.s32 $0x1B8E;
	s25 =	sld [smem:$0x3FFE];
	[sflag:s24] =	ssyncadd.s32 $0xFFFFFFFF  }
0x1d: {  	s27 =	simm.s32 $execute0_lowered;
	[smem:$0x3FD2] =	sst s26  }
0x1e: {  	s5 =	sshll.u32 s27, $0x1;
	_ =	strace $0x80000049;
	[dreg:$0x1] =	wrdreg $0xFFFFFFFF  }
0x1f: {  	s28 =	simm.s32 $_size_execute0_lowered;
	s3 =	sadd.s32 s3, s5;
	[dreg:$0x0] =	wrdreg $0x0  }
0x20: {  	s5 =	sshll.u32 s28, $0x1;
	[dreg:$0x2] =	wrdreg s3  }
0x21: {  	[dreg:$0x3] =	wrdreg s5  }
0x22: {  	[dreg:$0x4] =	wrdreg $0xC0  }
0x23: {  	_ =	task [dreg:s7], $0x5FFFF  }
0x24: {  	[dreg:$0x1] =	wrdreg $0xFFFFFFFF  }
0x25: {  	[dreg:$0x0] =	wrdreg $0x60  }
0x26: {  	[dreg:$0x2] =	wrdreg s25  }
0x27: {  	[dreg:$0x3] =	wrdreg s2  }
0x28: {  	[dreg:$0x4] =	wrdreg $0x9  }
0x29: {  	_ =	task.clear_ibuf [dreg:s7], $0x5FFFF;
	_ =	strace $0x90000049  }
0x2a: {  	s29 =	simm.s32 $0x9;
	_ =	strace $0x8000004B  }
0x2b: {  	_ =	swait.ge [sflag:s29], $0x1  }
0x2c: {  	[sflag:s29] =	ssyncadd.s32 $0xFFFFFFFF  }
0x2d: {  	_ =	strace $0x9000004B  }
0x2e: {  	_ =	sfence  }
0x2f: {  	s30 =	sld [smem:$0x0];
	_ =	sdelay $0x2  }
0x30: {  	s31 =	sshll.u32 s1, $0xD;
	s1 =	sshrl.u32 s1, $0x2  }
0x31: {  	s3 =	sand.u32 $0x4000, s31;
	s1 =	sadd.s32 s1, s30  }
0x32: {  	s0 =	sor.u32 s3, s0;
	s1 =	sshll.u32 s1, $0x11  }
0x33: {  	s0 =	sor.u32 s1, s0  }
0x34: {  	s0 =	sadd.s32 $0x8F2B, s0  }
0x35: {  	[sflag:s0] =	ssyncadd.remote.s32 $0x1  }
0x36: {  	_ =	sfence.sel $0xFFFF  }
0x37: {  	[dreg:$0x0] =	wrdreg $0xFFFFFFFF;
	(pc) =	sbr.abs _section_cstart, $3  }
0x38: {  	[dreg:$0x1] =	wrdreg $0xFFFFFFFF  }
0x39: {  	_ =	task.clear_ibuf [dreg:s7], $0x2FFFF;
	_ =	strace $0x9FFFFFFF  }
0x3a: {  	(tm) =	ssettm $0x7FFFFFFF  }
0x3b: {  	_ =	shalt  }
tec
execute0_lowered:
.L_overlay_start_1:
0x0: {  	(tag) =	ssettag $0x1  }
0x1: {  	s0 =	srdreg.scid  }
0x2: {  	s1 =	sshll.u32 s0, $0x4  }
0x3: {  	s0 =	stileid.u32;
	s1 =	sand.u32 $0x10, s1  }
0x4: {  	s1 =	sor.u32 s0, s1  }
0x5: {  	s6 =	rddreg [dreg:$0x0];
	s4 =	simm.s32 $0x1;
	s2 =	sshll.u32 s1, $0x7  }
0x6: {  	s7 =	simm.s32 $0x2;
	s12 =	simm.s32 $0x0;
	s1 =	ssub.s32 $0x1000, s2  }
0x7: {  	s8 =	simm.s32 $0x8000;
	s13 =	simm.s32 $0x0;
	s3 =	sand.u32 $0xF80, s1  }
0x8: {  	s9 =	simm.s32 $0x0;
	s5 =	sshrl.u32 s1, $0xC;
	p0 =	sne.s32 s3, $0x0  }
.Ltmp0:
0x9: {  	s1 =	rddreg [dreg:$0x2];
	s4 =	simm.s32 @!p0 $0x0;
	(pc) =	sbr.rel .LBB1_1-.Ltmp0, $4  }
0xa: {  	s11 =	simm.s32 $0x0;
	s3 =	rddreg [dreg:$0x1];
	s5 =	sadd.s32 s4, s5  }
0xb: {  	_ =	strace $0x8000004A;
	s4 =	simm.s32 $0x1;
	s5 =	smul.u32 $0xC8, s5  }
0xc: {  	s6 =	sadd.s32 $0x1200, s6;
	s10 =	smov.u32 s2;
	[sflag:s4] =	ssyncpa.u1 $0x0  }
0xd: {  	p0 =	por $0x0, $0x0;
	[sflag:s7] =	ssyncpa.u1 $0x0;
	s7 =	sor.u32 $0x1, s5  }
.LBB1_4:
0xe: {  	s16 =	sshll.u32 s13, $0x3;
	s17 =	sand.u32 $0x78, s13  }
0xf: {  	s30 =	sand.u32 $0x7E00, s13;
	s12 =	sshll.u32 s12, $0xF;
	s16 =	sand.u32 $0xC00, s16  }
0x10: {  	[tilespmem:s15+$0x810 ss:$0x81] =	vst.msk $0xffff, v2;
	s31 =	sand.u32 $0x7, s13;
	s16 =	sor.u32 s17, s16;
	s17 =	sadd.s32 s3, s30  }
0x11: {  	[tilespmem:s15+$0x1020 ss:$0x81] =	vst.msk $0xffff, v0;
	s13 =	sshll.u32 s31, $0x12;
	s12 =	sadd.s32 s12, s17;
	s16 =	sshrl.u32 s16, $0x3  }
0x12: {  	[tilespmem:s15+$0x0 ss:$0x81] =	vst.msk $0xffff, v1;
	s13 =	sor.u32 $0x400, s13;
	s12 =	sadd.s32 s16, s12  }
0x13: {  	[hbm4b:s12+s13] =	stream.strided.scatter [tilespmem:s14], [sflag:$0x2], $0x2000, s8, s13, $0x20;
	[tilespmem:$0x8080] =	vst v63  }
.LBB1_5:
0x14: {  	s14 =	sadd.s32 $0x1, s9  }
0x15: {  	s12 =	sadd.s32 $0x1000, s10;
	s16 =	smov.u32 s10;
	p2 =	sgt.s32 s14, $0xC7  }
0x16: {  	s16 =	smov.u32 @p2 s12  }
0x17: {  	s14 =	simm.s32 @p2 $0x0;
	p2 =	sgt.s32 s16, $0xFFF  }
0x18: {  	s16 =	smov.u32 @p2 s2;
	p2 =	sne.s32 s11, s7  }
.Ltmp1:
0x19: {  	p1 =	slt.u32 s11, $0x2;
	(pc) =	sbr.rel @!p2 .LBB1_6-.Ltmp1, $4  }
0x1a: {  	s15 =	simm.s32 @!p1 $0x2  }
0x1b: {  	s13 =	smov.u32 s10;
	p0 =	por !p0, !p0;
	_ =	swait.ge @!p1 [sflag:s15], $0x2000  }
0x1c: {  	s12 =	smov.u32 s9;
	[sflag:s15] =	ssyncset.done @!p1 $0x0;
	s9 =	smov.u32 s14  }
0x1d: {  	s11 =	sadd.s32 $0x1, s11;
	[sflag:s15] =	ssyncadd.s32 @!p1 $0xFFFFE000;
	s10 =	smov.u32 s16  }
.LBB1_1:
0x1e: {  	p1 =	sge.u32 s11, s5  }
0x1f: {  	s14 =	sand.u32 @!p1 $0x1FFFFFF, s9  }
0x20: {  	s15 =	smulhi.u32 @!p1 $0x147AE15, s14;
	_ =	sdelay $0x1  }
0x21: {  	s15 =	smul.u32 @!p1 $0xC8, s15  }
0x22: {  	s16 =	sxor.u32 @!p1 $0xFFFFFFFF, s11;
	s17 =	smul.u32 @!p1 $0xC80, s10  }
0x23: {  	s31 =	sadd.s32 $0xFFFFFFFF, s11;
	s16 =	sshll.u32 @!p1 s16, $0xD;
	s14 =	ssub.s32 @!p1 s14, s15  }
0x24: {  	s15 =	sand.u32 @!p1 $0x2000, s16;
	s16 =	sadd.s32 @!p1 s6, s17;
	s14 =	sshll.u32 @!p1 s14, $0x4  }
0x25: {  	s17 =	simm.s32 @!p1 $0x6400;
	s14 =	sadd.s32 @!p1 s14, s16;
	s16 =	simm.s32 @!p1 $0x40  }
0x26: {  	[tilespmem:s15], [sflag:$0x1] =	stream.strided.gather @!p1 [hbm4b:s14+s16], $0x2000, s17, s16, $0x38;
	[tilespmem:$0x8080] =	vst v63  }
0x27: {  	p1 =	sge.u32 s31, s5  }
.Ltmp2:
0x28: {  	_ = 	snop;
	(pc) =	sbr.rel @p1 .LBB1_5-.Ltmp2, $1  }
0x29: {  	_ =	sdelay $0x3  }
0x2a: {  	s14 =	simm.s32 $0x1  }
0x2b: {  	_ =	swait.ge [sflag:s4], $0x2000;
	s14 =	simm.s32 @!p0 $0x0  }
0x2c: {  	[sflag:s4] =	ssyncset.done $0x0;
	s15 =	sshll.u32 s14, $0xD  }
0x2d: {  	[sflag:s4] =	ssyncadd.s32 $0xFFFFE000;
	s18 =	sor.u32 $0x20, s15  }
0x2e: {  	s14 =	smul.u32 $0x8100, s14;
	v3 =	vld [tilespmem:s18+$0x10]  }
0x2f: {  	s30 =	sand.u32 $0x1, s11;
	v2 =	vld [tilespmem:s18+$0xFFFFFFF0]  }
0x30: {  	s15 =	smul.u32 $0x8100, s30;
	s14 =	sshrl.u32 s14, $0x2;
	v0 =	vld [tilespmem:s18+$0x0]  }
0x31: {  	v1 =	vld [tilespmem:s18+$0xFFFFFFE0];
	s16 =	sor.u32 $0x4000, s14  }
0x32: {  	s31 =	sshrl.u32 s15, $0x2;
	s15 =	sadd.s32 $0x0, s16  }
0x33: {  	s17 =	simm.s32 $0x4;
	s18 =	sadd.s32 $0x40, s18;
	s14 =	sor.u32 $0x4000, s31;
	[tilespmem:s15+$0x1830 ss:$0x81] =	vst.msk $0xffff, v3  }
.LBB1_3:
0x34: {  	v3 =	vld [tilespmem:s18+$0x10];
	p1 =	sne.s32 s17, $0x1FC;
	[tilespmem:s15+$0x810 ss:$0x81] =	vst.msk $0xffff, v2;
	s19 =	smov.u32 s17;
	s17 =	sadd.s32 $0x4, s17  }
.Ltmp3:
0x35: {  	v2 =	vld [tilespmem:s18+$0xFFFFFFF0];
	[tilespmem:s15+$0x1020 ss:$0x81] =	vst.msk $0xffff, v0;
	(pc) =	sbr.rel @p1 .LBB1_3-.Ltmp3, $4  }
0x36: {  	v0 =	vld [tilespmem:s18+$0x0];
	[tilespmem:s15+$0x0 ss:$0x81] =	vst.msk $0xffff, v1  }
0x37: {  	s15 =	sshra.s32 s19, $0x2;
	v1 =	vld [tilespmem:s18+$0xFFFFFFE0]  }
0x38: {  	s15 =	sadd.s32 s15, s16  }
0x39: {  	s18 =	sadd.s32 $0x40, s18;
	[tilespmem:s15+$0x1830 ss:$0x81] =	vst.msk $0xffff, v3  }
.Ltmp4:
0x3a: {  	_ = 	snop;
	(pc) =	sbr.rel .LBB1_4-.Ltmp4, $1  }
0x3b: {  	_ =	sdelay $0x3  }
.LBB1_6:
0x3c: {  	_ =	sfence.sel $0x180000  }
0x3d: {  	s2 =	simm.s32 $0x1;
	[bflag:$0x0] =	sbarrier.arrive $0xFFFF  }
0x3e: {  	s31 =	simm.s32 $0x2;
	[sflag:s2] =	ssyncpa.u1 $0x1  }
0x3f: {  	[sflag:s31] =	ssyncpa.u1 $0x1  }
0x40: {  	p0 =	sne.s32 s0, $0x0;
	_ =	strace $0x9000004A  }
0x41: {  	s0 =	sadd.s32 @!p0 $0x100000, s1;
	[bflag:$0x2] =	sbarrier.arrive $0xFFFF  }
0x42: {  	[sflag:s0] =	ssyncadd.tile.s32 @!p0 $0x1;
	_ =	shalt  }
.Lfunc_end1:
_tile_overlayer_lowered:
.L_overlay_start_2:
0x43: {  	(tag) =	ssettag $0x2  }
0x44: {  	s0 =	rddreg [dreg:$0x0];
	s2 =	stileid.u32  }
0x45: {  	s1 =	rddreg [dreg:$0x1];
	p0 =	sne.s32 s2, $0x0  }
0x46: {  	s3 =	rddreg [dreg:$0x2];
	[bflag:$0x3] =	sbarrier.arrive $0xFFFF;
	s2 =	simm.s32 @!p0 $0x1C01  }
0x47: {  	[timem:s3], [sflag:s2] =	dma.local @!p0 [hbm:s0], s1  }
0x48: {  	s0 =	simm.s32 @!p0 $0x1  }
0x49: {  	_ =	swait.ge @!p0 [sflag:s0], s1  }
0x4a: {  	s1 =	ssub.s32 @!p0 $0x0, s1;
	[sflag:s0] =	ssyncset.done @!p0 $0x0  }
0x4b: {  	[sflag:s0] =	ssyncadd.s32 @!p0 s1  }
0x4c: {  	[bflag:$0x3] =	sbarrier.arrive $0xFFFF  }
0x4d: {  	_ =	shalt  }

</sc_bundles>
